<compile_context>
chip_gen: v7x
topology: tpu7x:2x2x1
jax: 0.10.2.dev20260603
libtpu: 0.0.44.dev20260713+nightly
codegen_flags: <defaults>
</compile_context>

<pallas_src>
import functools

import jax
import jax.numpy as jnp
from jax import lax
from jax.experimental import pallas as pl
from jax.experimental.pallas import tpu as pltpu
from jax.experimental.pallas import tpu_sc as plsc

_B, _N, _OV, _O = 16, 4096, 128, 64
_NW = 32
_RW = _B * _N // _NW
_C = 256
_NC = _RW // _C
_NV = _O // 16


def _gs_body(global_state_ref, W_ref, gs_ref):
    gs_ref[...] = jnp.dot(global_state_ref[...], W_ref[...],
                          preferred_element_type=jnp.float32)


def _rep_body(gs_hbm, gsz_hbm, rep_hbm, gsz_v, gs_row_v, tmpl, sem):
    cid = lax.axis_index("c")
    sid = lax.axis_index("s")
    wid = sid * 2 + cid
    bidx = wid // 2
    r0 = (wid % 2) * _RW

    pltpu.sync_copy(gsz_hbm, gsz_v)
    pltpu.sync_copy(gs_hbm.at[bidx], gs_row_v)
    gvec = gsz_v[...]
    gsize = gvec[0]
    for k in range(1, _B):
        gsize = jnp.where(bidx == k, gvec[k], gsize)

    gv = [gs_row_v[pl.ds(j * 16, 16)] for j in range(_NV)]
    zv = [jnp.zeros((16,), jnp.float32)] * _NV

    def fill(i, _):
        for j in range(_NV):
            tmpl[i, pl.ds(j * 16, 16)] = gv[j]
            tmpl[_C + i, pl.ds(j * 16, 16)] = zv[j]
        return 0
    lax.fori_loop(0, _C, fill, 0)

    descs = []
    for c in range(_NC):
        base = r0 + c * _C
        off = jnp.clip(_C - (gsize - base), 0, _C)
        descs.append(pltpu.async_copy(
            tmpl.at[pl.ds(off, _C)],
            rep_hbm.at[bidx, pl.ds(base, _C), pl.ds(0, _O)], sem))
    for d in descs:
        d.wait()


@jax.jit
def kernel(V, global_state, graph_size, W):
    b, N, Ov = V.shape
    O = W.shape[1]
    gs = pl.pallas_call(
        _gs_body,
        out_shape=jax.ShapeDtypeStruct((b, O), jnp.float32),
    )(global_state, W)

    rep_build = pl.kernel(
        _rep_body,
        out_type=jax.ShapeDtypeStruct((b, N, 2 * O), jnp.float32),
        mesh=plsc.VectorSubcoreMesh(core_axis_name="c", subcore_axis_name="s"),
        compiler_params=pltpu.CompilerParams(use_tc_tiling_on_sc=False),
        scratch_types=[
            pltpu.VMEM((b,), jnp.int32),
            pltpu.VMEM((O,), jnp.float32),
            pltpu.VMEM((2 * _C, O), jnp.float32),
            pltpu.SemaphoreType.DMA,
        ],
        name="sc_rep_build",
    )
    rep = rep_build(gs, graph_size)
    out = jnp.concatenate([V, rep[:, :, :O]], axis=-1)
    return out, gs

# --- scband reference (transcript-rebuilt; emitter-appended) ---
"""Pipeline reference for scband-graph-node-cat-global-features-68547678044318 (READ-ONLY COPY).

The authoritative reference and input builder live on the scoring server;
editing this copy changes nothing except your own understanding.
"""

import jax, jax.numpy as jnp
import numpy as np
import math


def setup_inputs(seed: int = 0) -> dict:
    key = jax.random.key(seed)
    k1, k2, k3, k4 = jax.random.split(key, 4)
    b, N, Ov = 16, 4096, 128
    global_feats, out_feats = 128, 64
    V = jax.random.normal(k1, (b, N, Ov), dtype=jnp.float32)
    global_state = jax.random.normal(k2, (b, global_feats), dtype=jnp.float32)
    graph_size = jax.random.randint(k3, (b,), 0, N)
    # xavier_uniform init for weights[0] of shape [global_feats, out_feats]
    a = math.sqrt(6.0 / (global_feats + out_feats))
    W = jax.random.uniform(k4, (global_feats, out_feats), minval=-a, maxval=a, dtype=jnp.float32)
    return {"V": V, "global_state": global_state, "graph_size": graph_size, "W": W}


def reference(V, global_state, graph_size, W):
    # mols == 1 branch of GraphNodeCatGlobalFeatures.forward
    b, N, Ov = V.shape
    O = W.shape[1]
    gs = global_state @ W  # [b, O]
    # cat([gs, zeros(b, O)], -1).view(-1, O) -> rows interleaved: gs_0, 0, gs_1, 0, ...
    gs_new = jnp.concatenate([gs, jnp.zeros((b, O), dtype=gs.dtype)], axis=-1).reshape(-1, O)  # [2b, O]
    # repeats interleaved: [sz_0, N - sz_0, sz_1, N - sz_1, ...]
    repeats = jnp.stack([graph_size, N - graph_size], axis=1).reshape(-1)  # [2b]
    gs_rep = jnp.repeat(gs_new, repeats, axis=0, total_repeat_length=b * N)  # [b*N, O]
    output = jnp.concatenate([V.reshape(-1, Ov), gs_rep], axis=1)  # [b*N, Ov+O]
    return output.reshape(b, N, Ov + O), gs

if __name__ == "__main__":
    import jax
    _d = setup_inputs()
    print(jax.jit(kernel)(*tuple(_d.values())))

</pallas_src>

<mosaic_0001>
#map = affine_map<(d0, d1) -> (0, 0)>
#map1 = affine_map<(d0, d1) -> (0)>
#map2 = affine_map<(d0, d1) -> (0, 0, 0)>
module attributes {stable_mosaic.version = 14 : i64} {
  func.func @sc_rep_build(%arg0: i32, %arg1: i32, %arg2: memref<16x64xf32, #tpu.memory_space<hbm>>, %arg3: memref<16xi32, #tpu.memory_space<hbm>>, %arg4: memref<16x4096x128xf32, #tpu.memory_space<hbm>>, %arg5: memref<16xi32, #tpu.memory_space<vmem>>, %arg6: memref<64xf32, #tpu.memory_space<vmem>>, %arg7: memref<512x64xf32, #tpu.memory_space<vmem>>, %arg8: memref<!tpu.dma_semaphore, #tpu.memory_space<semaphore_mem>>) attributes {dimension_semantics = [#tpu.dimension_semantics<core_parallel>, #tpu.dimension_semantics<subcore_parallel>], iteration_bounds = array<i64: 2, 16>, scalar_prefetch = 0 : i64, scratch_operands = 4 : i64, tpu.core_type = #tpu.core_type<sc_vector_subcore>, window_params = [{transform_indices = #map}, {transform_indices = #map1}, {transform_indices = #map2}]} {
    %mul3A = arith.constant 2 : i32
    %mul3A_0 = arith.muli %arg1, %mul3A : i32
    %add3A = arith.addi %mul3A_0, %arg0 : i32
    %jit3A = arith.constant 2 : i32
    %div3A = arith.divsi %add3A, %jit3A : i32
    %sign3A = arith.constant 0 : i32
    %sign3A_1 = arith.cmpi sgt, %add3A, %sign3A : i32
    %sign3A_2 = arith.extui %sign3A_1 : i1 to i32
    %sign3A_3 = arith.constant 0 : i32
    %sign3A_4 = arith.cmpi slt, %add3A, %sign3A_3 : i32
    %sign3A_5 = arith.extui %sign3A_4 : i1 to i32
    %sign3A_6 = arith.subi %sign3A_2, %sign3A_5 : i32
    %sign3A_7 = arith.constant 0 : i32
    %sign3A_8 = arith.cmpi sgt, %jit3A, %sign3A_7 : i32
    %sign3A_9 = arith.extui %sign3A_8 : i1 to i32
    %sign3A_10 = arith.constant 0 : i32
    %sign3A_11 = arith.cmpi slt, %jit3A, %sign3A_10 : i32
    %sign3A_12 = arith.extui %sign3A_11 : i1 to i32
    %sign3A_13 = arith.subi %sign3A_9, %sign3A_12 : i32
    %ne3A = arith.cmpi ne, %sign3A_6, %sign3A_13 : i32
    %rem3A = arith.remsi %add3A, %jit3A : i32
    %ne3A_14 = arith.constant 0 : i32
    %ne3A_15 = arith.cmpi ne, %rem3A, %ne3A_14 : i32
    %and3A = arith.andi %ne3A, %ne3A_15 : i1
    %sub3A = arith.constant 1 : i32
    %sub3A_16 = arith.subi %div3A, %sub3A : i32
    %select_n3A = arith.select %and3A, %sub3A_16, %div3A : i32
    %jit3A_17 = arith.constant 2 : i32
    %eq3A = arith.constant 0 : i32
    %eq3A_18 = arith.cmpi eq, %jit3A_17, %eq3A : i32
    %jit3A_19 = arith.constant 1 : i32
    %select_n3A_20 = arith.select %eq3A_18, %jit3A_19, %jit3A_17 : i32
    %rem3A_21 = arith.remsi %add3A, %select_n3A_20 : i32
    %ne3A_22 = arith.constant 0 : i32
    %ne3A_23 = arith.cmpi ne, %rem3A_21, %ne3A_22 : i32
    %lt3A = arith.constant 0 : i32
    %lt3A_24 = arith.cmpi slt, %rem3A_21, %lt3A : i32
    %lt3A_25 = arith.constant 0 : i32
    %lt3A_26 = arith.cmpi slt, %select_n3A_20, %lt3A_25 : i32
    %ne3A_27 = arith.xori %lt3A_24, %lt3A_26 : i1
    %and3A_28 = arith.andi %ne3A_27, %ne3A_23 : i1
    %add3A_29 = arith.addi %rem3A_21, %select_n3A_20 : i32
    %select_n3A_30 = arith.select %and3A_28, %add3A_29, %rem3A_21 : i32
    %mul3A_31 = arith.constant 2048 : i32
    %mul3A_32 = arith.muli %select_n3A_30, %mul3A_31 : i32
    "tpu.region"() ({
      %run_scoped3A = tpu.sem_alloc : memref<!tpu.dma_semaphore, #tpu.memory_space<semaphore_mem>>
      tpu.enqueue_dma source(%arg3 : memref<16xi32, #tpu.memory_space<hbm>>) target(%arg5 : memref<16xi32, #tpu.memory_space<vmem>>) target_semaphore(%run_scoped3A : memref<!tpu.dma_semaphore, #tpu.memory_space<semaphore_mem>>)
      tpu.wait_dma2 semaphore(%run_scoped3A : memref<!tpu.dma_semaphore, #tpu.memory_space<semaphore_mem>>) src(%arg3 : memref<16xi32, #tpu.memory_space<hbm>>) dst(%arg5 : memref<16xi32, #tpu.memory_space<vmem>>)
      tpu.yield
    }) : () -> ()
    "tpu.region"() ({
      %run_scoped3A = tpu.sem_alloc : memref<!tpu.dma_semaphore, #tpu.memory_space<semaphore_mem>>
      %dma_start3A_357 = arith.constant 0 : i32
      %dma_start3A_358 = tpu.memref_slice %arg2[%select_n3A, %dma_start3A_357] : memref<16x64xf32, #tpu.memory_space<hbm>> -> memref<1x64xf32, #tpu.memory_space<hbm>>
      %dma_start3A_359 = tpu.memref_squeeze %dma_start3A_358 : memref<1x64xf32, #tpu.memory_space<hbm>> -> memref<64xf32, #tpu.memory_space<hbm>>
      %dma_start3A_360 = arith.constant 0 : i32
      %dma_start3A_361 = tpu.memref_slice %arg2[%select_n3A, %dma_start3A_360] : memref<16x64xf32, #tpu.memory_space<hbm>> -> memref<1x64xf32, #tpu.memory_space<hbm>>
      %dma_start3A_362 = tpu.memref_squeeze %dma_start3A_361 : memref<1x64xf32, #tpu.memory_space<hbm>> -> memref<64xf32, #tpu.memory_space<hbm>>
      tpu.enqueue_dma source(%dma_start3A_362 : memref<64xf32, #tpu.memory_space<hbm>>) target(%arg6 : memref<64xf32, #tpu.memory_space<vmem>>) target_semaphore(%run_scoped3A : memref<!tpu.dma_semaphore, #tpu.memory_space<semaphore_mem>>)
      %dma_wait3A_363 = arith.constant 0 : i32
      %dma_wait3A_364 = tpu.memref_slice %arg2[%select_n3A, %dma_wait3A_363] : memref<16x64xf32, #tpu.memory_space<hbm>> -> memref<1x64xf32, #tpu.memory_space<hbm>>
      %dma_wait3A_365 = tpu.memref_squeeze %dma_wait3A_364 : memref<1x64xf32, #tpu.memory_space<hbm>> -> memref<64xf32, #tpu.memory_space<hbm>>
      %dma_wait3A_366 = arith.constant 0 : i32
      %dma_wait3A_367 = tpu.memref_slice %arg2[%select_n3A, %dma_wait3A_366] : memref<16x64xf32, #tpu.memory_space<hbm>> -> memref<1x64xf32, #tpu.memory_space<hbm>>
      %dma_wait3A_368 = tpu.memref_squeeze %dma_wait3A_367 : memref<1x64xf32, #tpu.memory_space<hbm>> -> memref<64xf32, #tpu.memory_space<hbm>>
      tpu.wait_dma2 semaphore(%run_scoped3A : memref<!tpu.dma_semaphore, #tpu.memory_space<semaphore_mem>>) src(%dma_wait3A_368 : memref<64xf32, #tpu.memory_space<hbm>>) dst(%arg6 : memref<64xf32, #tpu.memory_space<vmem>>)
      tpu.yield
    }) : () -> ()
    %get3A = arith.constant 0 : index
    %get3A_33 = tpu.vector_load %arg5[%get3A] {strides = array<i32>} : memref<16xi32, #tpu.memory_space<vmem>>, vector<16xi32>,
    %get3A_34 = vector.shape_cast %get3A_33 : vector<16xi32> to vector<16xi32>
    %slice3A = vector.extract_strided_slice %get3A_34 {offsets = [0], sizes = [1], strides = [1]} : vector<16xi32> to vector<1xi32>
    %squeeze3A = vector.extract %slice3A[0] : i32 from vector<1xi32>
    %eq3A_35 = arith.constant 1 : i32
    %eq3A_36 = arith.cmpi eq, %select_n3A, %eq3A_35 : i32
    %slice3A_37 = vector.extract_strided_slice %get3A_34 {offsets = [1], sizes = [1], strides = [1]} : vector<16xi32> to vector<1xi32>
    %squeeze3A_38 = vector.extract %slice3A_37[0] : i32 from vector<1xi32>
    %select_n3A_39 = arith.select %eq3A_36, %squeeze3A_38, %squeeze3A : i32
    %eq3A_40 = arith.constant 2 : i32
    %eq3A_41 = arith.cmpi eq, %select_n3A, %eq3A_40 : i32
    %slice3A_42 = vector.extract_strided_slice %get3A_34 {offsets = [2], sizes = [1], strides = [1]} : vector<16xi32> to vector<1xi32>
    %squeeze3A_43 = vector.extract %slice3A_42[0] : i32 from vector<1xi32>
    %select_n3A_44 = arith.select %eq3A_41, %squeeze3A_43, %select_n3A_39 : i32
    %eq3A_45 = arith.constant 3 : i32
    %eq3A_46 = arith.cmpi eq, %select_n3A, %eq3A_45 : i32
    %slice3A_47 = vector.extract_strided_slice %get3A_34 {offsets = [3], sizes = [1], strides = [1]} : vector<16xi32> to vector<1xi32>
    %squeeze3A_48 = vector.extract %slice3A_47[0] : i32 from vector<1xi32>
    %select_n3A_49 = arith.select %eq3A_46, %squeeze3A_48, %select_n3A_44 : i32
    %eq3A_50 = arith.constant 4 : i32
    %eq3A_51 = arith.cmpi eq, %select_n3A, %eq3A_50 : i32
    %slice3A_52 = vector.extract_strided_slice %get3A_34 {offsets = [4], sizes = [1], strides = [1]} : vector<16xi32> to vector<1xi32>
    %squeeze3A_53 = vector.extract %slice3A_52[0] : i32 from vector<1xi32>
    %select_n3A_54 = arith.select %eq3A_51, %squeeze3A_53, %select_n3A_49 : i32
    %eq3A_55 = arith.constant 5 : i32
    %eq3A_56 = arith.cmpi eq, %select_n3A, %eq3A_55 : i32
    %slice3A_57 = vector.extract_strided_slice %get3A_34 {offsets = [5], sizes = [1], strides = [1]} : vector<16xi32> to vector<1xi32>
    %squeeze3A_58 = vector.extract %slice3A_57[0] : i32 from vector<1xi32>
    %select_n3A_59 = arith.select %eq3A_56, %squeeze3A_58, %select_n3A_54 : i32
    %eq3A_60 = arith.constant 6 : i32
    %eq3A_61 = arith.cmpi eq, %select_n3A, %eq3A_60 : i32
    %slice3A_62 = vector.extract_strided_slice %get3A_34 {offsets = [6], sizes = [1], strides = [1]} : vector<16xi32> to vector<1xi32>
    %squeeze3A_63 = vector.extract %slice3A_62[0] : i32 from vector<1xi32>
    %select_n3A_64 = arith.select %eq3A_61, %squeeze3A_63, %select_n3A_59 : i32
    %eq3A_65 = arith.constant 7 : i32
    %eq3A_66 = arith.cmpi eq, %select_n3A, %eq3A_65 : i32
    %slice3A_67 = vector.extract_strided_slice %get3A_34 {offsets = [7], sizes = [1], strides = [1]} : vector<16xi32> to vector<1xi32>
    %squeeze3A_68 = vector.extract %slice3A_67[0] : i32 from vector<1xi32>
    %select_n3A_69 = arith.select %eq3A_66, %squeeze3A_68, %select_n3A_64 : i32
    %eq3A_70 = arith.constant 8 : i32
    %eq3A_71 = arith.cmpi eq, %select_n3A, %eq3A_70 : i32
    %slice3A_72 = vector.extract_strided_slice %get3A_34 {offsets = [8], sizes = [1], strides = [1]} : vector<16xi32> to vector<1xi32>
    %squeeze3A_73 = vector.extract %slice3A_72[0] : i32 from vector<1xi32>
    %select_n3A_74 = arith.select %eq3A_71, %squeeze3A_73, %select_n3A_69 : i32
    %eq3A_75 = arith.constant 9 : i32
    %eq3A_76 = arith.cmpi eq, %select_n3A, %eq3A_75 : i32
    %slice3A_77 = vector.extract_strided_slice %get3A_34 {offsets = [9], sizes = [1], strides = [1]} : vector<16xi32> to vector<1xi32>
    %squeeze3A_78 = vector.extract %slice3A_77[0] : i32 from vector<1xi32>
    %select_n3A_79 = arith.select %eq3A_76, %squeeze3A_78, %select_n3A_74 : i32
    %eq3A_80 = arith.constant 10 : i32
    %eq3A_81 = arith.cmpi eq, %select_n3A, %eq3A_80 : i32
    %slice3A_82 = vector.extract_strided_slice %get3A_34 {offsets = [10], sizes = [1], strides = [1]} : vector<16xi32> to vector<1xi32>
    %squeeze3A_83 = vector.extract %slice3A_82[0] : i32 from vector<1xi32>
    %select_n3A_84 = arith.select %eq3A_81, %squeeze3A_83, %select_n3A_79 : i32
    %eq3A_85 = arith.constant 11 : i32
    %eq3A_86 = arith.cmpi eq, %select_n3A, %eq3A_85 : i32
    %slice3A_87 = vector.extract_strided_slice %get3A_34 {offsets = [11], sizes = [1], strides = [1]} : vector<16xi32> to vector<1xi32>
    %squeeze3A_88 = vector.extract %slice3A_87[0] : i32 from vector<1xi32>
    %select_n3A_89 = arith.select %eq3A_86, %squeeze3A_88, %select_n3A_84 : i32
    %eq3A_90 = arith.constant 12 : i32
    %eq3A_91 = arith.cmpi eq, %select_n3A, %eq3A_90 : i32
    %slice3A_92 = vector.extract_strided_slice %get3A_34 {offsets = [12], sizes = [1], strides = [1]} : vector<16xi32> to vector<1xi32>
    %squeeze3A_93 = vector.extract %slice3A_92[0] : i32 from vector<1xi32>
    %select_n3A_94 = arith.select %eq3A_91, %squeeze3A_93, %select_n3A_89 : i32
    %eq3A_95 = arith.constant 13 : i32
    %eq3A_96 = arith.cmpi eq, %select_n3A, %eq3A_95 : i32
    %slice3A_97 = vector.extract_strided_slice %get3A_34 {offsets = [13], sizes = [1], strides = [1]} : vector<16xi32> to vector<1xi32>
    %squeeze3A_98 = vector.extract %slice3A_97[0] : i32 from vector<1xi32>
    %select_n3A_99 = arith.select %eq3A_96, %squeeze3A_98, %select_n3A_94 : i32
    %eq3A_100 = arith.constant 14 : i32
    %eq3A_101 = arith.cmpi eq, %select_n3A, %eq3A_100 : i32
    %slice3A_102 = vector.extract_strided_slice %get3A_34 {offsets = [14], sizes = [1], strides = [1]} : vector<16xi32> to vector<1xi32>
    %squeeze3A_103 = vector.extract %slice3A_102[0] : i32 from vector<1xi32>
    %select_n3A_104 = arith.select %eq3A_101, %squeeze3A_103, %select_n3A_99 : i32
    %eq3A_105 = arith.constant 15 : i32
    %eq3A_106 = arith.cmpi eq, %select_n3A, %eq3A_105 : i32
    %slice3A_107 = vector.extract_strided_slice %get3A_34 {offsets = [15], sizes = [1], strides = [1]} : vector<16xi32> to vector<1xi32>
    %squeeze3A_108 = vector.extract %slice3A_107[0] : i32 from vector<1xi32>
    %select_n3A_109 = arith.select %eq3A_106, %squeeze3A_108, %select_n3A_104 : i32
    %get3A_110 = arith.constant 0 : index
    %get3A_111 = tpu.vector_load %arg6[%get3A_110] {strides = array<i32>} : memref<64xf32, #tpu.memory_space<vmem>>, vector<16xf32>,
    %get3A_112 = vector.shape_cast %get3A_111 : vector<16xf32> to vector<16xf32>
    %get3A_113 = arith.constant 16 : index
    %get3A_114 = tpu.vector_load %arg6[%get3A_113] {strides = array<i32>} : memref<64xf32, #tpu.memory_space<vmem>>, vector<16xf32>,
    %get3A_115 = vector.shape_cast %get3A_114 : vector<16xf32> to vector<16xf32>
    %get3A_116 = arith.constant 32 : index
    %get3A_117 = tpu.vector_load %arg6[%get3A_116] {strides = array<i32>} : memref<64xf32, #tpu.memory_space<vmem>>, vector<16xf32>,
    %get3A_118 = vector.shape_cast %get3A_117 : vector<16xf32> to vector<16xf32>
    %get3A_119 = arith.constant 48 : index
    %get3A_120 = tpu.vector_load %arg6[%get3A_119] {strides = array<i32>} : memref<64xf32, #tpu.memory_space<vmem>>, vector<16xf32>,
    %get3A_121 = vector.shape_cast %get3A_120 : vector<16xf32> to vector<16xf32>
    %broadcast_in_dim3A = arith.constant 0.000000e+00 : f32
    %broadcast_in_dim3A_122 = vector.broadcast %broadcast_in_dim3A : f32 to vector<16xf32>
    %scan3A = arith.constant 0 : i32
    %scan3A_123 = arith.constant 0 : i32
    %scan3A_124 = arith.constant 256 : i32
    %scan3A_125 = arith.addi %scan3A_123, %scan3A_124 : i32
    %scan3A_126 = arith.constant 1 : i32
    %scan3A_127 = scf.for %scan3A_357 = %scan3A_123 to %scan3A_125 step %scan3A_126 iter_args(%scan3A_358 = %scan3A) -> (i32)  : i32 {
      %swap3A = arith.index_cast %scan3A_357 : i32 to index
      %swap3A_359 = arith.constant 0 : index
      %swap3A_360 = tpu.vector_load %arg7[%swap3A, %swap3A_359] {strides = array<i32>} : memref<512x64xf32, #tpu.memory_space<vmem>>, vector<1x16xf32>,
      %swap3A_361 = vector.shape_cast %swap3A_360 : vector<1x16xf32> to vector<16xf32>
      %swap3A_362 = vector.shape_cast %get3A_112 : vector<16xf32> to vector<1x16xf32>
      tpu.vector_store %arg7[%swap3A, %swap3A_359], %swap3A_362 {strides = array<i32>} : memref<512x64xf32, #tpu.memory_space<vmem>>, vector<1x16xf32>,
      %add3A_363 = arith.constant 256 : i32
      %add3A_364 = arith.addi %add3A_363, %scan3A_357 : i32
      %swap3A_365 = arith.index_cast %add3A_364 : i32 to index
      %swap3A_366 = arith.constant 0 : index
      %swap3A_367 = tpu.vector_load %arg7[%swap3A_365, %swap3A_366] {strides = array<i32>} : memref<512x64xf32, #tpu.memory_space<vmem>>, vector<1x16xf32>,
      %swap3A_368 = vector.shape_cast %swap3A_367 : vector<1x16xf32> to vector<16xf32>
      %swap3A_369 = vector.shape_cast %broadcast_in_dim3A_122 : vector<16xf32> to vector<1x16xf32>
      tpu.vector_store %arg7[%swap3A_365, %swap3A_366], %swap3A_369 {strides = array<i32>} : memref<512x64xf32, #tpu.memory_space<vmem>>, vector<1x16xf32>,
      %swap3A_370 = arith.index_cast %scan3A_357 : i32 to index
      %swap3A_371 = arith.constant 16 : index
      %swap3A_372 = tpu.vector_load %arg7[%swap3A_370, %swap3A_371] {strides = array<i32>} : memref<512x64xf32, #tpu.memory_space<vmem>>, vector<1x16xf32>,
      %swap3A_373 = vector.shape_cast %swap3A_372 : vector<1x16xf32> to vector<16xf32>
      %swap3A_374 = vector.shape_cast %get3A_115 : vector<16xf32> to vector<1x16xf32>
      tpu.vector_store %arg7[%swap3A_370, %swap3A_371], %swap3A_374 {strides = array<i32>} : memref<512x64xf32, #tpu.memory_space<vmem>>, vector<1x16xf32>,
      %add3A_375 = arith.constant 256 : i32
      %add3A_376 = arith.addi %add3A_375, %scan3A_357 : i32
      %swap3A_377 = arith.index_cast %add3A_376 : i32 to index
      %swap3A_378 = arith.constant 16 : index
      %swap3A_379 = tpu.vector_load %arg7[%swap3A_377, %swap3A_378] {strides = array<i32>} : memref<512x64xf32, #tpu.memory_space<vmem>>, vector<1x16xf32>,
      %swap3A_380 = vector.shape_cast %swap3A_379 : vector<1x16xf32> to vector<16xf32>
      %swap3A_381 = vector.shape_cast %broadcast_in_dim3A_122 : vector<16xf32> to vector<1x16xf32>
      tpu.vector_store %arg7[%swap3A_377, %swap3A_378], %swap3A_381 {strides = array<i32>} : memref<512x64xf32, #tpu.memory_space<vmem>>, vector<1x16xf32>,
      %swap3A_382 = arith.index_cast %scan3A_357 : i32 to index
      %swap3A_383 = arith.constant 32 : index
      %swap3A_384 = tpu.vector_load %arg7[%swap3A_382, %swap3A_383] {strides = array<i32>} : memref<512x64xf32, #tpu.memory_space<vmem>>, vector<1x16xf32>,
      %swap3A_385 = vector.shape_cast %swap3A_384 : vector<1x16xf32> to vector<16xf32>
      %swap3A_386 = vector.shape_cast %get3A_118 : vector<16xf32> to vector<1x16xf32>
      tpu.vector_store %arg7[%swap3A_382, %swap3A_383], %swap3A_386 {strides = array<i32>} : memref<512x64xf32, #tpu.memory_space<vmem>>, vector<1x16xf32>,
      %add3A_387 = arith.constant 256 : i32
      %add3A_388 = arith.addi %add3A_387, %scan3A_357 : i32
      %swap3A_389 = arith.index_cast %add3A_388 : i32 to index
      %swap3A_390 = arith.constant 32 : index
      %swap3A_391 = tpu.vector_load %arg7[%swap3A_389, %swap3A_390] {strides = array<i32>} : memref<512x64xf32, #tpu.memory_space<vmem>>, vector<1x16xf32>,
      %swap3A_392 = vector.shape_cast %swap3A_391 : vector<1x16xf32> to vector<16xf32>
      %swap3A_393 = vector.shape_cast %broadcast_in_dim3A_122 : vector<16xf32> to vector<1x16xf32>
      tpu.vector_store %arg7[%swap3A_389, %swap3A_390], %swap3A_393 {strides = array<i32>} : memref<512x64xf32, #tpu.memory_space<vmem>>, vector<1x16xf32>,
      %swap3A_394 = arith.index_cast %scan3A_357 : i32 to index
      %swap3A_395 = arith.constant 48 : index
      %swap3A_396 = tpu.vector_load %arg7[%swap3A_394, %swap3A_395] {strides = array<i32>} : memref<512x64xf32, #tpu.memory_space<vmem>>, vector<1x16xf32>,
      %swap3A_397 = vector.shape_cast %swap3A_396 : vector<1x16xf32> to vector<16xf32>
      %swap3A_398 = vector.shape_cast %get3A_121 : vector<16xf32> to vector<1x16xf32>
      tpu.vector_store %arg7[%swap3A_394, %swap3A_395], %swap3A_398 {strides = array<i32>} : memref<512x64xf32, #tpu.memory_space<vmem>>, vector<1x16xf32>,
      %add3A_399 = arith.constant 256 : i32
      %add3A_400 = arith.addi %add3A_399, %scan3A_357 : i32
      %swap3A_401 = arith.index_cast %add3A_400 : i32 to index
      %swap3A_402 = arith.constant 48 : index
      %swap3A_403 = tpu.vector_load %arg7[%swap3A_401, %swap3A_402] {strides = array<i32>} : memref<512x64xf32, #tpu.memory_space<vmem>>, vector<1x16xf32>,
      %swap3A_404 = vector.shape_cast %swap3A_403 : vector<1x16xf32> to vector<16xf32>
      %swap3A_405 = vector.shape_cast %broadcast_in_dim3A_122 : vector<16xf32> to vector<1x16xf32>
      tpu.vector_store %arg7[%swap3A_401, %swap3A_402], %swap3A_405 {strides = array<i32>} : memref<512x64xf32, #tpu.memory_space<vmem>>, vector<1x16xf32>,
      %scan3A_406 = arith.constant 0 : i32
      scf.yield %scan3A_406 : i32
    }
    %scan3A_128 = arith.constant 256 : i32
    %add3A_129 = arith.constant 0 : i32
    %add3A_130 = arith.addi %mul3A_32, %add3A_129 : i32
    %sub3A_131 = arith.subi %select_n3A_109, %add3A_130 : i32
    %sub3A_132 = arith.constant 256 : i32
    %sub3A_133 = arith.subi %sub3A_132, %sub3A_131 : i32
    %jit3A_134 = arith.constant 0 : i32
    %jit3A_135 = arith.constant 256 : i32
    %max3A = arith.maxsi %jit3A_134, %sub3A_133 : i32
    %min3A = arith.minsi %jit3A_135, %max3A : i32
    %dma_start3A = arith.constant 0 : i32
    %dma_start3A_136 = tpu.memref_slice %arg7[%min3A, %dma_start3A] : memref<512x64xf32, #tpu.memory_space<vmem>> -> memref<256x64xf32, #tpu.memory_space<vmem>>
    %dma_start3A_137 = arith.constant 0 : i32
    %dma_start3A_138 = tpu.memref_slice %arg4[%select_n3A, %add3A_130, %dma_start3A_137] : memref<16x4096x128xf32, #tpu.memory_space<hbm>> -> memref<1x256x64xf32, #tpu.memory_space<hbm>>
    %dma_start3A_139 = tpu.memref_squeeze %dma_start3A_138 : memref<1x256x64xf32, #tpu.memory_space<hbm>> -> memref<256x64xf32, #tpu.memory_space<hbm>>
    %dma_start3A_140 = arith.constant 0 : i32
    %dma_start3A_141 = tpu.memref_slice %arg4[%select_n3A, %add3A_130, %dma_start3A_140] : memref<16x4096x128xf32, #tpu.memory_space<hbm>> -> memref<1x256x64xf32, #tpu.memory_space<hbm>>
    %dma_start3A_142 = tpu.memref_squeeze %dma_start3A_141 : memref<1x256x64xf32, #tpu.memory_space<hbm>> -> memref<256x64xf32, #tpu.memory_space<hbm>>
    %dma_start3A_143 = arith.constant 0 : i32
    %dma_start3A_144 = tpu.memref_slice %arg7[%min3A, %dma_start3A_143] : memref<512x64xf32, #tpu.memory_space<vmem>> -> memref<256x64xf32, #tpu.memory_space<vmem>>
    tpu.enqueue_dma source(%dma_start3A_144 : memref<256x64xf32, #tpu.memory_space<vmem>>) target(%dma_start3A_142 : memref<256x64xf32, #tpu.memory_space<hbm>>) target_semaphore(%arg8 : memref<!tpu.dma_semaphore, #tpu.memory_space<semaphore_mem>>)
    %add3A_145 = arith.constant 256 : i32
    %add3A_146 = arith.addi %mul3A_32, %add3A_145 : i32
    %sub3A_147 = arith.subi %select_n3A_109, %add3A_146 : i32
    %sub3A_148 = arith.constant 256 : i32
    %sub3A_149 = arith.subi %sub3A_148, %sub3A_147 : i32
    %jit3A_150 = arith.constant 0 : i32
    %jit3A_151 = arith.constant 256 : i32
    %max3A_152 = arith.maxsi %jit3A_150, %sub3A_149 : i32
    %min3A_153 = arith.minsi %jit3A_151, %max3A_152 : i32
    %dma_start3A_154 = arith.constant 0 : i32
    %dma_start3A_155 = tpu.memref_slice %arg7[%min3A_153, %dma_start3A_154] : memref<512x64xf32, #tpu.memory_space<vmem>> -> memref<256x64xf32, #tpu.memory_space<vmem>>
    %dma_start3A_156 = arith.constant 0 : i32
    %dma_start3A_157 = tpu.memref_slice %arg4[%select_n3A, %add3A_146, %dma_start3A_156] : memref<16x4096x128xf32, #tpu.memory_space<hbm>> -> memref<1x256x64xf32, #tpu.memory_space<hbm>>
    %dma_start3A_158 = tpu.memref_squeeze %dma_start3A_157 : memref<1x256x64xf32, #tpu.memory_space<hbm>> -> memref<256x64xf32, #tpu.memory_space<hbm>>
    %dma_start3A_159 = arith.constant 0 : i32
    %dma_start3A_160 = tpu.memref_slice %arg4[%select_n3A, %add3A_146, %dma_start3A_159] : memref<16x4096x128xf32, #tpu.memory_space<hbm>> -> memref<1x256x64xf32, #tpu.memory_space<hbm>>
    %dma_start3A_161 = tpu.memref_squeeze %dma_start3A_160 : memref<1x256x64xf32, #tpu.memory_space<hbm>> -> memref<256x64xf32, #tpu.memory_space<hbm>>
    %dma_start3A_162 = arith.constant 0 : i32
    %dma_start3A_163 = tpu.memref_slice %arg7[%min3A_153, %dma_start3A_162] : memref<512x64xf32, #tpu.memory_space<vmem>> -> memref<256x64xf32, #tpu.memory_space<vmem>>
    tpu.enqueue_dma source(%dma_start3A_163 : memref<256x64xf32, #tpu.memory_space<vmem>>) target(%dma_start3A_161 : memref<256x64xf32, #tpu.memory_space<hbm>>) target_semaphore(%arg8 : memref<!tpu.dma_semaphore, #tpu.memory_space<semaphore_mem>>)
    %add3A_164 = arith.constant 512 : i32
    %add3A_165 = arith.addi %mul3A_32, %add3A_164 : i32
    %sub3A_166 = arith.subi %select_n3A_109, %add3A_165 : i32
    %sub3A_167 = arith.constant 256 : i32
    %sub3A_168 = arith.subi %sub3A_167, %sub3A_166 : i32
    %jit3A_169 = arith.constant 0 : i32
    %jit3A_170 = arith.constant 256 : i32
    %max3A_171 = arith.maxsi %jit3A_169, %sub3A_168 : i32
    %min3A_172 = arith.minsi %jit3A_170, %max3A_171 : i32
    %dma_start3A_173 = arith.constant 0 : i32
    %dma_start3A_174 = tpu.memref_slice %arg7[%min3A_172, %dma_start3A_173] : memref<512x64xf32, #tpu.memory_space<vmem>> -> memref<256x64xf32, #tpu.memory_space<vmem>>
    %dma_start3A_175 = arith.constant 0 : i32
    %dma_start3A_176 = tpu.memref_slice %arg4[%select_n3A, %add3A_165, %dma_start3A_175] : memref<16x4096x128xf32, #tpu.memory_space<hbm>> -> memref<1x256x64xf32, #tpu.memory_space<hbm>>
    %dma_start3A_177 = tpu.memref_squeeze %dma_start3A_176 : memref<1x256x64xf32, #tpu.memory_space<hbm>> -> memref<256x64xf32, #tpu.memory_space<hbm>>
    %dma_start3A_178 = arith.constant 0 : i32
    %dma_start3A_179 = tpu.memref_slice %arg4[%select_n3A, %add3A_165, %dma_start3A_178] : memref<16x4096x128xf32, #tpu.memory_space<hbm>> -> memref<1x256x64xf32, #tpu.memory_space<hbm>>
    %dma_start3A_180 = tpu.memref_squeeze %dma_start3A_179 : memref<1x256x64xf32, #tpu.memory_space<hbm>> -> memref<256x64xf32, #tpu.memory_space<hbm>>
    %dma_start3A_181 = arith.constant 0 : i32
    %dma_start3A_182 = tpu.memref_slice %arg7[%min3A_172, %dma_start3A_181] : memref<512x64xf32, #tpu.memory_space<vmem>> -> memref<256x64xf32, #tpu.memory_space<vmem>>
    tpu.enqueue_dma source(%dma_start3A_182 : memref<256x64xf32, #tpu.memory_space<vmem>>) target(%dma_start3A_180 : memref<256x64xf32, #tpu.memory_space<hbm>>) target_semaphore(%arg8 : memref<!tpu.dma_semaphore, #tpu.memory_space<semaphore_mem>>)
    %add3A_183 = arith.constant 768 : i32
    %add3A_184 = arith.addi %mul3A_32, %add3A_183 : i32
    %sub3A_185 = arith.subi %select_n3A_109, %add3A_184 : i32
    %sub3A_186 = arith.constant 256 : i32
    %sub3A_187 = arith.subi %sub3A_186, %sub3A_185 : i32
    %jit3A_188 = arith.constant 0 : i32
    %jit3A_189 = arith.constant 256 : i32
    %max3A_190 = arith.maxsi %jit3A_188, %sub3A_187 : i32
    %min3A_191 = arith.minsi %jit3A_189, %max3A_190 : i32
    %dma_start3A_192 = arith.constant 0 : i32
    %dma_start3A_193 = tpu.memref_slice %arg7[%min3A_191, %dma_start3A_192] : memref<512x64xf32, #tpu.memory_space<vmem>> -> memref<256x64xf32, #tpu.memory_space<vmem>>
    %dma_start3A_194 = arith.constant 0 : i32
    %dma_start3A_195 = tpu.memref_slice %arg4[%select_n3A, %add3A_184, %dma_start3A_194] : memref<16x4096x128xf32, #tpu.memory_space<hbm>> -> memref<1x256x64xf32, #tpu.memory_space<hbm>>
    %dma_start3A_196 = tpu.memref_squeeze %dma_start3A_195 : memref<1x256x64xf32, #tpu.memory_space<hbm>> -> memref<256x64xf32, #tpu.memory_space<hbm>>
    %dma_start3A_197 = arith.constant 0 : i32
    %dma_start3A_198 = tpu.memref_slice %arg4[%select_n3A, %add3A_184, %dma_start3A_197] : memref<16x4096x128xf32, #tpu.memory_space<hbm>> -> memref<1x256x64xf32, #tpu.memory_space<hbm>>
    %dma_start3A_199 = tpu.memref_squeeze %dma_start3A_198 : memref<1x256x64xf32, #tpu.memory_space<hbm>> -> memref<256x64xf32, #tpu.memory_space<hbm>>
    %dma_start3A_200 = arith.constant 0 : i32
    %dma_start3A_201 = tpu.memref_slice %arg7[%min3A_191, %dma_start3A_200] : memref<512x64xf32, #tpu.memory_space<vmem>> -> memref<256x64xf32, #tpu.memory_space<vmem>>
    tpu.enqueue_dma source(%dma_start3A_201 : memref<256x64xf32, #tpu.memory_space<vmem>>) target(%dma_start3A_199 : memref<256x64xf32, #tpu.memory_space<hbm>>) target_semaphore(%arg8 : memref<!tpu.dma_semaphore, #tpu.memory_space<semaphore_mem>>)
    %add3A_202 = arith.constant 1024 : i32
    %add3A_203 = arith.addi %mul3A_32, %add3A_202 : i32
    %sub3A_204 = arith.subi %select_n3A_109, %add3A_203 : i32
    %sub3A_205 = arith.constant 256 : i32
    %sub3A_206 = arith.subi %sub3A_205, %sub3A_204 : i32
    %jit3A_207 = arith.constant 0 : i32
    %jit3A_208 = arith.constant 256 : i32
    %max3A_209 = arith.maxsi %jit3A_207, %sub3A_206 : i32
    %min3A_210 = arith.minsi %jit3A_208, %max3A_209 : i32
    %dma_start3A_211 = arith.constant 0 : i32
    %dma_start3A_212 = tpu.memref_slice %arg7[%min3A_210, %dma_start3A_211] : memref<512x64xf32, #tpu.memory_space<vmem>> -> memref<256x64xf32, #tpu.memory_space<vmem>>
    %dma_start3A_213 = arith.constant 0 : i32
    %dma_start3A_214 = tpu.memref_slice %arg4[%select_n3A, %add3A_203, %dma_start3A_213] : memref<16x4096x128xf32, #tpu.memory_space<hbm>> -> memref<1x256x64xf32, #tpu.memory_space<hbm>>
    %dma_start3A_215 = tpu.memref_squeeze %dma_start3A_214 : memref<1x256x64xf32, #tpu.memory_space<hbm>> -> memref<256x64xf32, #tpu.memory_space<hbm>>
    %dma_start3A_216 = arith.constant 0 : i32
    %dma_start3A_217 = tpu.memref_slice %arg4[%select_n3A, %add3A_203, %dma_start3A_216] : memref<16x4096x128xf32, #tpu.memory_space<hbm>> -> memref<1x256x64xf32, #tpu.memory_space<hbm>>
    %dma_start3A_218 = tpu.memref_squeeze %dma_start3A_217 : memref<1x256x64xf32, #tpu.memory_space<hbm>> -> memref<256x64xf32, #tpu.memory_space<hbm>>
    %dma_start3A_219 = arith.constant 0 : i32
    %dma_start3A_220 = tpu.memref_slice %arg7[%min3A_210, %dma_start3A_219] : memref<512x64xf32, #tpu.memory_space<vmem>> -> memref<256x64xf32, #tpu.memory_space<vmem>>
    tpu.enqueue_dma source(%dma_start3A_220 : memref<256x64xf32, #tpu.memory_space<vmem>>) target(%dma_start3A_218 : memref<256x64xf32, #tpu.memory_space<hbm>>) target_semaphore(%arg8 : memref<!tpu.dma_semaphore, #tpu.memory_space<semaphore_mem>>)
    %add3A_221 = arith.constant 1280 : i32
    %add3A_222 = arith.addi %mul3A_32, %add3A_221 : i32
    %sub3A_223 = arith.subi %select_n3A_109, %add3A_222 : i32
    %sub3A_224 = arith.constant 256 : i32
    %sub3A_225 = arith.subi %sub3A_224, %sub3A_223 : i32
    %jit3A_226 = arith.constant 0 : i32
    %jit3A_227 = arith.constant 256 : i32
    %max3A_228 = arith.maxsi %jit3A_226, %sub3A_225 : i32
    %min3A_229 = arith.minsi %jit3A_227, %max3A_228 : i32
    %dma_start3A_230 = arith.constant 0 : i32
    %dma_start3A_231 = tpu.memref_slice %arg7[%min3A_229, %dma_start3A_230] : memref<512x64xf32, #tpu.memory_space<vmem>> -> memref<256x64xf32, #tpu.memory_space<vmem>>
    %dma_start3A_232 = arith.constant 0 : i32
    %dma_start3A_233 = tpu.memref_slice %arg4[%select_n3A, %add3A_222, %dma_start3A_232] : memref<16x4096x128xf32, #tpu.memory_space<hbm>> -> memref<1x256x64xf32, #tpu.memory_space<hbm>>
    %dma_start3A_234 = tpu.memref_squeeze %dma_start3A_233 : memref<1x256x64xf32, #tpu.memory_space<hbm>> -> memref<256x64xf32, #tpu.memory_space<hbm>>
    %dma_start3A_235 = arith.constant 0 : i32
    %dma_start3A_236 = tpu.memref_slice %arg4[%select_n3A, %add3A_222, %dma_start3A_235] : memref<16x4096x128xf32, #tpu.memory_space<hbm>> -> memref<1x256x64xf32, #tpu.memory_space<hbm>>
    %dma_start3A_237 = tpu.memref_squeeze %dma_start3A_236 : memref<1x256x64xf32, #tpu.memory_space<hbm>> -> memref<256x64xf32, #tpu.memory_space<hbm>>
    %dma_start3A_238 = arith.constant 0 : i32
    %dma_start3A_239 = tpu.memref_slice %arg7[%min3A_229, %dma_start3A_238] : memref<512x64xf32, #tpu.memory_space<vmem>> -> memref<256x64xf32, #tpu.memory_space<vmem>>
    tpu.enqueue_dma source(%dma_start3A_239 : memref<256x64xf32, #tpu.memory_space<vmem>>) target(%dma_start3A_237 : memref<256x64xf32, #tpu.memory_space<hbm>>) target_semaphore(%arg8 : memref<!tpu.dma_semaphore, #tpu.memory_space<semaphore_mem>>)
    %add3A_240 = arith.constant 1536 : i32
    %add3A_241 = arith.addi %mul3A_32, %add3A_240 : i32
    %sub3A_242 = arith.subi %select_n3A_109, %add3A_241 : i32
    %sub3A_243 = arith.constant 256 : i32
    %sub3A_244 = arith.subi %sub3A_243, %sub3A_242 : i32
    %jit3A_245 = arith.constant 0 : i32
    %jit3A_246 = arith.constant 256 : i32
    %max3A_247 = arith.maxsi %jit3A_245, %sub3A_244 : i32
    %min3A_248 = arith.minsi %jit3A_246, %max3A_247 : i32
    %dma_start3A_249 = arith.constant 0 : i32
    %dma_start3A_250 = tpu.memref_slice %arg7[%min3A_248, %dma_start3A_249] : memref<512x64xf32, #tpu.memory_space<vmem>> -> memref<256x64xf32, #tpu.memory_space<vmem>>
    %dma_start3A_251 = arith.constant 0 : i32
    %dma_start3A_252 = tpu.memref_slice %arg4[%select_n3A, %add3A_241, %dma_start3A_251] : memref<16x4096x128xf32, #tpu.memory_space<hbm>> -> memref<1x256x64xf32, #tpu.memory_space<hbm>>
    %dma_start3A_253 = tpu.memref_squeeze %dma_start3A_252 : memref<1x256x64xf32, #tpu.memory_space<hbm>> -> memref<256x64xf32, #tpu.memory_space<hbm>>
    %dma_start3A_254 = arith.constant 0 : i32
    %dma_start3A_255 = tpu.memref_slice %arg4[%select_n3A, %add3A_241, %dma_start3A_254] : memref<16x4096x128xf32, #tpu.memory_space<hbm>> -> memref<1x256x64xf32, #tpu.memory_space<hbm>>
    %dma_start3A_256 = tpu.memref_squeeze %dma_start3A_255 : memref<1x256x64xf32, #tpu.memory_space<hbm>> -> memref<256x64xf32, #tpu.memory_space<hbm>>
    %dma_start3A_257 = arith.constant 0 : i32
    %dma_start3A_258 = tpu.memref_slice %arg7[%min3A_248, %dma_start3A_257] : memref<512x64xf32, #tpu.memory_space<vmem>> -> memref<256x64xf32, #tpu.memory_space<vmem>>
    tpu.enqueue_dma source(%dma_start3A_258 : memref<256x64xf32, #tpu.memory_space<vmem>>) target(%dma_start3A_256 : memref<256x64xf32, #tpu.memory_space<hbm>>) target_semaphore(%arg8 : memref<!tpu.dma_semaphore, #tpu.memory_space<semaphore_mem>>)
    %add3A_259 = arith.constant 1792 : i32
    %add3A_260 = arith.addi %mul3A_32, %add3A_259 : i32
    %sub3A_261 = arith.subi %select_n3A_109, %add3A_260 : i32
    %sub3A_262 = arith.constant 256 : i32
    %sub3A_263 = arith.subi %sub3A_262, %sub3A_261 : i32
    %jit3A_264 = arith.constant 0 : i32
    %jit3A_265 = arith.constant 256 : i32
    %max3A_266 = arith.maxsi %jit3A_264, %sub3A_263 : i32
    %min3A_267 = arith.minsi %jit3A_265, %max3A_266 : i32
    %dma_start3A_268 = arith.constant 0 : i32
    %dma_start3A_269 = tpu.memref_slice %arg7[%min3A_267, %dma_start3A_268] : memref<512x64xf32, #tpu.memory_space<vmem>> -> memref<256x64xf32, #tpu.memory_space<vmem>>
    %dma_start3A_270 = arith.constant 0 : i32
    %dma_start3A_271 = tpu.memref_slice %arg4[%select_n3A, %add3A_260, %dma_start3A_270] : memref<16x4096x128xf32, #tpu.memory_space<hbm>> -> memref<1x256x64xf32, #tpu.memory_space<hbm>>
    %dma_start3A_272 = tpu.memref_squeeze %dma_start3A_271 : memref<1x256x64xf32, #tpu.memory_space<hbm>> -> memref<256x64xf32, #tpu.memory_space<hbm>>
    %dma_start3A_273 = arith.constant 0 : i32
    %dma_start3A_274 = tpu.memref_slice %arg4[%select_n3A, %add3A_260, %dma_start3A_273] : memref<16x4096x128xf32, #tpu.memory_space<hbm>> -> memref<1x256x64xf32, #tpu.memory_space<hbm>>
    %dma_start3A_275 = tpu.memref_squeeze %dma_start3A_274 : memref<1x256x64xf32, #tpu.memory_space<hbm>> -> memref<256x64xf32, #tpu.memory_space<hbm>>
    %dma_start3A_276 = arith.constant 0 : i32
    %dma_start3A_277 = tpu.memref_slice %arg7[%min3A_267, %dma_start3A_276] : memref<512x64xf32, #tpu.memory_space<vmem>> -> memref<256x64xf32, #tpu.memory_space<vmem>>
    tpu.enqueue_dma source(%dma_start3A_277 : memref<256x64xf32, #tpu.memory_space<vmem>>) target(%dma_start3A_275 : memref<256x64xf32, #tpu.memory_space<hbm>>) target_semaphore(%arg8 : memref<!tpu.dma_semaphore, #tpu.memory_space<semaphore_mem>>)
    %dma_wait3A = arith.constant 0 : i32
    %dma_wait3A_278 = tpu.memref_slice %arg7[%min3A, %dma_wait3A] : memref<512x64xf32, #tpu.memory_space<vmem>> -> memref<256x64xf32, #tpu.memory_space<vmem>>
    %dma_wait3A_279 = arith.constant 0 : i32
    %dma_wait3A_280 = tpu.memref_slice %arg4[%select_n3A, %add3A_130, %dma_wait3A_279] : memref<16x4096x128xf32, #tpu.memory_space<hbm>> -> memref<1x256x64xf32, #tpu.memory_space<hbm>>
    %dma_wait3A_281 = tpu.memref_squeeze %dma_wait3A_280 : memref<1x256x64xf32, #tpu.memory_space<hbm>> -> memref<256x64xf32, #tpu.memory_space<hbm>>
    %dma_wait3A_282 = arith.constant 0 : i32
    %dma_wait3A_283 = tpu.memref_slice %arg4[%select_n3A, %add3A_130, %dma_wait3A_282] : memref<16x4096x128xf32, #tpu.memory_space<hbm>> -> memref<1x256x64xf32, #tpu.memory_space<hbm>>
    %dma_wait3A_284 = tpu.memref_squeeze %dma_wait3A_283 : memref<1x256x64xf32, #tpu.memory_space<hbm>> -> memref<256x64xf32, #tpu.memory_space<hbm>>
    %dma_wait3A_285 = arith.constant 0 : i32
    %dma_wait3A_286 = tpu.memref_slice %arg7[%min3A, %dma_wait3A_285] : memref<512x64xf32, #tpu.memory_space<vmem>> -> memref<256x64xf32, #tpu.memory_space<vmem>>
    tpu.wait_dma2 semaphore(%arg8 : memref<!tpu.dma_semaphore, #tpu.memory_space<semaphore_mem>>) src(%dma_wait3A_286 : memref<256x64xf32, #tpu.memory_space<vmem>>) dst(%dma_wait3A_284 : memref<256x64xf32, #tpu.memory_space<hbm>>)
    %dma_wait3A_287 = arith.constant 0 : i32
    %dma_wait3A_288 = tpu.memref_slice %arg7[%min3A_153, %dma_wait3A_287] : memref<512x64xf32, #tpu.memory_space<vmem>> -> memref<256x64xf32, #tpu.memory_space<vmem>>
    %dma_wait3A_289 = arith.constant 0 : i32
    %dma_wait3A_290 = tpu.memref_slice %arg4[%select_n3A, %add3A_146, %dma_wait3A_289] : memref<16x4096x128xf32, #tpu.memory_space<hbm>> -> memref<1x256x64xf32, #tpu.memory_space<hbm>>
    %dma_wait3A_291 = tpu.memref_squeeze %dma_wait3A_290 : memref<1x256x64xf32, #tpu.memory_space<hbm>> -> memref<256x64xf32, #tpu.memory_space<hbm>>
    %dma_wait3A_292 = arith.constant 0 : i32
    %dma_wait3A_293 = tpu.memref_slice %arg4[%select_n3A, %add3A_146, %dma_wait3A_292] : memref<16x4096x128xf32, #tpu.memory_space<hbm>> -> memref<1x256x64xf32, #tpu.memory_space<hbm>>
    %dma_wait3A_294 = tpu.memref_squeeze %dma_wait3A_293 : memref<1x256x64xf32, #tpu.memory_space<hbm>> -> memref<256x64xf32, #tpu.memory_space<hbm>>
    %dma_wait3A_295 = arith.constant 0 : i32
    %dma_wait3A_296 = tpu.memref_slice %arg7[%min3A_153, %dma_wait3A_295] : memref<512x64xf32, #tpu.memory_space<vmem>> -> memref<256x64xf32, #tpu.memory_space<vmem>>
    tpu.wait_dma2 semaphore(%arg8 : memref<!tpu.dma_semaphore, #tpu.memory_space<semaphore_mem>>) src(%dma_wait3A_296 : memref<256x64xf32, #tpu.memory_space<vmem>>) dst(%dma_wait3A_294 : memref<256x64xf32, #tpu.memory_space<hbm>>)
    %dma_wait3A_297 = arith.constant 0 : i32
    %dma_wait3A_298 = tpu.memref_slice %arg7[%min3A_172, %dma_wait3A_297] : memref<512x64xf32, #tpu.memory_space<vmem>> -> memref<256x64xf32, #tpu.memory_space<vmem>>
    %dma_wait3A_299 = arith.constant 0 : i32
    %dma_wait3A_300 = tpu.memref_slice %arg4[%select_n3A, %add3A_165, %dma_wait3A_299] : memref<16x4096x128xf32, #tpu.memory_space<hbm>> -> memref<1x256x64xf32, #tpu.memory_space<hbm>>
    %dma_wait3A_301 = tpu.memref_squeeze %dma_wait3A_300 : memref<1x256x64xf32, #tpu.memory_space<hbm>> -> memref<256x64xf32, #tpu.memory_space<hbm>>
    %dma_wait3A_302 = arith.constant 0 : i32
    %dma_wait3A_303 = tpu.memref_slice %arg4[%select_n3A, %add3A_165, %dma_wait3A_302] : memref<16x4096x128xf32, #tpu.memory_space<hbm>> -> memref<1x256x64xf32, #tpu.memory_space<hbm>>
    %dma_wait3A_304 = tpu.memref_squeeze %dma_wait3A_303 : memref<1x256x64xf32, #tpu.memory_space<hbm>> -> memref<256x64xf32, #tpu.memory_space<hbm>>
    %dma_wait3A_305 = arith.constant 0 : i32
    %dma_wait3A_306 = tpu.memref_slice %arg7[%min3A_172, %dma_wait3A_305] : memref<512x64xf32, #tpu.memory_space<vmem>> -> memref<256x64xf32, #tpu.memory_space<vmem>>
    tpu.wait_dma2 semaphore(%arg8 : memref<!tpu.dma_semaphore, #tpu.memory_space<semaphore_mem>>) src(%dma_wait3A_306 : memref<256x64xf32, #tpu.memory_space<vmem>>) dst(%dma_wait3A_304 : memref<256x64xf32, #tpu.memory_space<hbm>>)
    %dma_wait3A_307 = arith.constant 0 : i32
    %dma_wait3A_308 = tpu.memref_slice %arg7[%min3A_191, %dma_wait3A_307] : memref<512x64xf32, #tpu.memory_space<vmem>> -> memref<256x64xf32, #tpu.memory_space<vmem>>
    %dma_wait3A_309 = arith.constant 0 : i32
    %dma_wait3A_310 = tpu.memref_slice %arg4[%select_n3A, %add3A_184, %dma_wait3A_309] : memref<16x4096x128xf32, #tpu.memory_space<hbm>> -> memref<1x256x64xf32, #tpu.memory_space<hbm>>
    %dma_wait3A_311 = tpu.memref_squeeze %dma_wait3A_310 : memref<1x256x64xf32, #tpu.memory_space<hbm>> -> memref<256x64xf32, #tpu.memory_space<hbm>>
    %dma_wait3A_312 = arith.constant 0 : i32
    %dma_wait3A_313 = tpu.memref_slice %arg4[%select_n3A, %add3A_184, %dma_wait3A_312] : memref<16x4096x128xf32, #tpu.memory_space<hbm>> -> memref<1x256x64xf32, #tpu.memory_space<hbm>>
    %dma_wait3A_314 = tpu.memref_squeeze %dma_wait3A_313 : memref<1x256x64xf32, #tpu.memory_space<hbm>> -> memref<256x64xf32, #tpu.memory_space<hbm>>
    %dma_wait3A_315 = arith.constant 0 : i32
    %dma_wait3A_316 = tpu.memref_slice %arg7[%min3A_191, %dma_wait3A_315] : memref<512x64xf32, #tpu.memory_space<vmem>> -> memref<256x64xf32, #tpu.memory_space<vmem>>
    tpu.wait_dma2 semaphore(%arg8 : memref<!tpu.dma_semaphore, #tpu.memory_space<semaphore_mem>>) src(%dma_wait3A_316 : memref<256x64xf32, #tpu.memory_space<vmem>>) dst(%dma_wait3A_314 : memref<256x64xf32, #tpu.memory_space<hbm>>)
    %dma_wait3A_317 = arith.constant 0 : i32
    %dma_wait3A_318 = tpu.memref_slice %arg7[%min3A_210, %dma_wait3A_317] : memref<512x64xf32, #tpu.memory_space<vmem>> -> memref<256x64xf32, #tpu.memory_space<vmem>>
    %dma_wait3A_319 = arith.constant 0 : i32
    %dma_wait3A_320 = tpu.memref_slice %arg4[%select_n3A, %add3A_203, %dma_wait3A_319] : memref<16x4096x128xf32, #tpu.memory_space<hbm>> -> memref<1x256x64xf32, #tpu.memory_space<hbm>>
    %dma_wait3A_321 = tpu.memref_squeeze %dma_wait3A_320 : memref<1x256x64xf32, #tpu.memory_space<hbm>> -> memref<256x64xf32, #tpu.memory_space<hbm>>
    %dma_wait3A_322 = arith.constant 0 : i32
    %dma_wait3A_323 = tpu.memref_slice %arg4[%select_n3A, %add3A_203, %dma_wait3A_322] : memref<16x4096x128xf32, #tpu.memory_space<hbm>> -> memref<1x256x64xf32, #tpu.memory_space<hbm>>
    %dma_wait3A_324 = tpu.memref_squeeze %dma_wait3A_323 : memref<1x256x64xf32, #tpu.memory_space<hbm>> -> memref<256x64xf32, #tpu.memory_space<hbm>>
    %dma_wait3A_325 = arith.constant 0 : i32
    %dma_wait3A_326 = tpu.memref_slice %arg7[%min3A_210, %dma_wait3A_325] : memref<512x64xf32, #tpu.memory_space<vmem>> -> memref<256x64xf32, #tpu.memory_space<vmem>>
    tpu.wait_dma2 semaphore(%arg8 : memref<!tpu.dma_semaphore, #tpu.memory_space<semaphore_mem>>) src(%dma_wait3A_326 : memref<256x64xf32, #tpu.memory_space<vmem>>) dst(%dma_wait3A_324 : memref<256x64xf32, #tpu.memory_space<hbm>>)
    %dma_wait3A_327 = arith.constant 0 : i32
    %dma_wait3A_328 = tpu.memref_slice %arg7[%min3A_229, %dma_wait3A_327] : memref<512x64xf32, #tpu.memory_space<vmem>> -> memref<256x64xf32, #tpu.memory_space<vmem>>
    %dma_wait3A_329 = arith.constant 0 : i32
    %dma_wait3A_330 = tpu.memref_slice %arg4[%select_n3A, %add3A_222, %dma_wait3A_329] : memref<16x4096x128xf32, #tpu.memory_space<hbm>> -> memref<1x256x64xf32, #tpu.memory_space<hbm>>
    %dma_wait3A_331 = tpu.memref_squeeze %dma_wait3A_330 : memref<1x256x64xf32, #tpu.memory_space<hbm>> -> memref<256x64xf32, #tpu.memory_space<hbm>>
    %dma_wait3A_332 = arith.constant 0 : i32
    %dma_wait3A_333 = tpu.memref_slice %arg4[%select_n3A, %add3A_222, %dma_wait3A_332] : memref<16x4096x128xf32, #tpu.memory_space<hbm>> -> memref<1x256x64xf32, #tpu.memory_space<hbm>>
    %dma_wait3A_334 = tpu.memref_squeeze %dma_wait3A_333 : memref<1x256x64xf32, #tpu.memory_space<hbm>> -> memref<256x64xf32, #tpu.memory_space<hbm>>
    %dma_wait3A_335 = arith.constant 0 : i32
    %dma_wait3A_336 = tpu.memref_slice %arg7[%min3A_229, %dma_wait3A_335] : memref<512x64xf32, #tpu.memory_space<vmem>> -> memref<256x64xf32, #tpu.memory_space<vmem>>
    tpu.wait_dma2 semaphore(%arg8 : memref<!tpu.dma_semaphore, #tpu.memory_space<semaphore_mem>>) src(%dma_wait3A_336 : memref<256x64xf32, #tpu.memory_space<vmem>>) dst(%dma_wait3A_334 : memref<256x64xf32, #tpu.memory_space<hbm>>)
    %dma_wait3A_337 = arith.constant 0 : i32
    %dma_wait3A_338 = tpu.memref_slice %arg7[%min3A_248, %dma_wait3A_337] : memref<512x64xf32, #tpu.memory_space<vmem>> -> memref<256x64xf32, #tpu.memory_space<vmem>>
    %dma_wait3A_339 = arith.constant 0 : i32
    %dma_wait3A_340 = tpu.memref_slice %arg4[%select_n3A, %add3A_241, %dma_wait3A_339] : memref<16x4096x128xf32, #tpu.memory_space<hbm>> -> memref<1x256x64xf32, #tpu.memory_space<hbm>>
    %dma_wait3A_341 = tpu.memref_squeeze %dma_wait3A_340 : memref<1x256x64xf32, #tpu.memory_space<hbm>> -> memref<256x64xf32, #tpu.memory_space<hbm>>
    %dma_wait3A_342 = arith.constant 0 : i32
    %dma_wait3A_343 = tpu.memref_slice %arg4[%select_n3A, %add3A_241, %dma_wait3A_342] : memref<16x4096x128xf32, #tpu.memory_space<hbm>> -> memref<1x256x64xf32, #tpu.memory_space<hbm>>
    %dma_wait3A_344 = tpu.memref_squeeze %dma_wait3A_343 : memref<1x256x64xf32, #tpu.memory_space<hbm>> -> memref<256x64xf32, #tpu.memory_space<hbm>>
    %dma_wait3A_345 = arith.constant 0 : i32
    %dma_wait3A_346 = tpu.memref_slice %arg7[%min3A_248, %dma_wait3A_345] : memref<512x64xf32, #tpu.memory_space<vmem>> -> memref<256x64xf32, #tpu.memory_space<vmem>>
    tpu.wait_dma2 semaphore(%arg8 : memref<!tpu.dma_semaphore, #tpu.memory_space<semaphore_mem>>) src(%dma_wait3A_346 : memref<256x64xf32, #tpu.memory_space<vmem>>) dst(%dma_wait3A_344 : memref<256x64xf32, #tpu.memory_space<hbm>>)
    %dma_wait3A_347 = arith.constant 0 : i32
    %dma_wait3A_348 = tpu.memref_slice %arg7[%min3A_267, %dma_wait3A_347] : memref<512x64xf32, #tpu.memory_space<vmem>> -> memref<256x64xf32, #tpu.memory_space<vmem>>
    %dma_wait3A_349 = arith.constant 0 : i32
    %dma_wait3A_350 = tpu.memref_slice %arg4[%select_n3A, %add3A_260, %dma_wait3A_349] : memref<16x4096x128xf32, #tpu.memory_space<hbm>> -> memref<1x256x64xf32, #tpu.memory_space<hbm>>
    %dma_wait3A_351 = tpu.memref_squeeze %dma_wait3A_350 : memref<1x256x64xf32, #tpu.memory_space<hbm>> -> memref<256x64xf32, #tpu.memory_space<hbm>>
    %dma_wait3A_352 = arith.constant 0 : i32
    %dma_wait3A_353 = tpu.memref_slice %arg4[%select_n3A, %add3A_260, %dma_wait3A_352] : memref<16x4096x128xf32, #tpu.memory_space<hbm>> -> memref<1x256x64xf32, #tpu.memory_space<hbm>>
    %dma_wait3A_354 = tpu.memref_squeeze %dma_wait3A_353 : memref<1x256x64xf32, #tpu.memory_space<hbm>> -> memref<256x64xf32, #tpu.memory_space<hbm>>
    %dma_wait3A_355 = arith.constant 0 : i32
    %dma_wait3A_356 = tpu.memref_slice %arg7[%min3A_267, %dma_wait3A_355] : memref<512x64xf32, #tpu.memory_space<vmem>> -> memref<256x64xf32, #tpu.memory_space<vmem>>
    tpu.wait_dma2 semaphore(%arg8 : memref<!tpu.dma_semaphore, #tpu.memory_space<semaphore_mem>>) src(%dma_wait3A_356 : memref<256x64xf32, #tpu.memory_space<vmem>>) dst(%dma_wait3A_354 : memref<256x64xf32, #tpu.memory_space<hbm>>)
    return
  }
}

module attributes {stable_mosaic.version = 14 : i64} {
  func.func @_gs_body(%arg0: memref<16x128xf32, #tpu.memory_space<vmem>>, %arg1: memref<128x64xf32, #tpu.memory_space<vmem>>, %arg2: memref<16x64xf32, #tpu.memory_space<vmem>>) attributes {dimension_semantics = [], scalar_prefetch = 0 : i64, scratch_operands = 0 : i64, tpu.core_type = #tpu.core_type<tc>} {
    %get3A = arith.constant 0 : index
    %get3A_0 = arith.constant 0 : index
    %get3A_1 = vector.load %arg0[%get3A, %get3A_0] : memref<16x128xf32, #tpu.memory_space<vmem>>, vector<16x128xf32>
    %get3A_2 = arith.constant 0 : index
    %get3A_3 = arith.constant 0 : index
    %get3A_4 = vector.load %arg1[%get3A_2, %get3A_3] : memref<128x64xf32, #tpu.memory_space<vmem>>, vector<128x64xf32>
    %dot_general3A = arith.constant dense<0.000000e+00> : vector<16x64xf32>
    %dot_general3A_5 = tpu.matmul %get3A_1, %get3A_4, %dot_general3A {dimension_numbers = #tpu.dot_dimension_numbers<[1], [0], [0], [1], [0, 0, 1, 1], [], []>, transpose_lhs_hint = false} : vector<16x128xf32>, vector<128x64xf32>, vector<16x64xf32> -> vector<16x64xf32>
    %swap3A = arith.constant 0 : index
    %swap3A_6 = arith.constant 0 : index
    %swap3A_7 = vector.load %arg2[%swap3A, %swap3A_6] : memref<16x64xf32, #tpu.memory_space<vmem>>, vector<16x64xf32>
    tpu.vector_store %arg2[%swap3A, %swap3A_6], %dot_general3A_5 {strides = array<i32>} : memref<16x64xf32, #tpu.memory_space<vmem>>, vector<16x64xf32>,
    return
  }
}

</mosaic_0001>

<sc_bundles>
// kernel: sc_rep_build.3.cloned.1.call-start
scs
__scs_entry_jumppad:
0x0: {  	(pc) =	sbr.rel $0x88, $3  }
0x1: {  	(tag) =	ssettag $0x0;
	lr =	simm.s32 $0x1  }
0x2: {  	[smem:$0x3F9D] =	sst lr;
	_ =	strace $0xD0000000  }
0x3: {  	_ = 	snop  }
0x4: {  	_ = 	snop  }
0x5: {  	_ = 	snop  }
0x6: {  	_ = 	snop  }
0x7: {  	_ = 	snop  }
__scs_overlays_trampoline_lowered:
0x8: {  	[smem:$0x3FAC] =	sst s0  }
0x9: {  	[smem:$0x3FAD] =	sst s1  }
0xa: {  	[smem:$0x3FAE] =	sst s2  }
0xb: {  	[smem:$0x3FAF] =	sst s3  }
0xc: {  	[smem:$0x3FB0] =	sst s4  }
0xd: {  	[smem:$0x3FB1] =	sst s5  }
0xe: {  	[smem:$0x3FB2] =	sst s6  }
0xf: {  	[smem:$0x3FB3] =	sst s7  }
0x10: {  	[smem:$0x3FB4] =	sst s8  }
0x11: {  	[smem:$0x3FB5] =	sst s9;
	s0 =	simm.s32 @!p0 $0x0  }
0x12: {  	s1 =	sld [smem:$0x3F9B];
	s0 =	simm.s32 @p0 $0x1  }
0x13: {  	[smem:$0x3FB6] =	sst s0;
	s0 =	simm.s32 @!p1 $0x0  }
0x14: {  	s2 =	sld [smem:$0x3F9A];
	s0 =	simm.s32 @p1 $0x1  }
0x15: {  	[smem:$0x3FB7] =	sst s0;
	s0 =	simm.s32 @!p2 $0x0  }
0x16: {  	s3 =	sld [smem:$0x3FDB];
	s0 =	simm.s32 @p2 $0x1  }
0x17: {  	s4 =	simm.s32 $0x1BF5;
	[smem:$0x3FB9] =	sst s0  }
0x18: {  	s0 =	sld [smem:$0x3F9C];
	_ =	swait.ge [sflag:s4], $0x0  }
0x19: {  	s7 =	sld [smem:$0x3F9D]  }
0x1a: {  	s8 =	sadd.s32 $0xFFFFE003, lr  }
0x1b: {  	s9 =	sadd.s32 $0xFFFFFEF7, lr;
	s5 =	simm.s32 $0xFFFFFFFF;
	p2 =	slt.u32 s8, $0xFFFFF086  }
0x1c: {  	p1 =	slt.u32 s9, $0xF7A;
	s5 =	simm.s32 @!p2 $0x0  }
0x1d: {  	s5 =	simm.s32 @p1 $0x1;
	p0 =	seq.s32 s7, s2  }
0x1e: {  	s7 =	smul.u32 @!p0 $0xF7A, s2;
	p2 =	seq.s32 @!p0 s5, $0x0  }
0x1f: {  	s9 =	smul.u32 $0xF7A, s1;
	s8 =	simm.s32 @!p0 $0x1BF5;
	p2 =	por !p2, p0  }
0x20: {  	[sflag:s8] =	ssyncset.s32 @!p0 $0xFFFFF086;
	s6 =	sadd.s32 @!p0 s3, s7;
	s7 =	simm.s32 @!p0 $0x108  }
0x21: {  	s3 =	sadd.s32 s3, s9;
	s6 =	sadd.s32 @!p0 $0x88, s6;
	s7 =	simm.s32 @p2 $0x1082  }
0x22: {  	[simem:s7], [sflag:s8] =	dma.local @!p0 [hbm:s6], $0xF7A  }
0x23: {  	s9 =	sor.u32 $0xD0000000, s2;
	s6 =	simm.s32 $0x108;
	_ =	swait.ge @!p0 [sflag:s8], $0x0  }
0x24: {  	s3 =	sadd.s32 $0x88, s3;
	s6 =	simm.s32 @!p1 $0x1082;
	[sflag:s4] =	ssyncset.s32 $0xFFFFF086  }
0x25: {  	[simem:s6], [sflag:s4] =	dma.local [hbm:s3], $0xF7A  }
0x26: {  	[smem:$0x3F9D] =	sst s1;
	(tag) =	ssettag s2;
	_ =	strace s9  }
0x27: {  	s1 =	sld [smem:$0x3FAD]  }
0x28: {  	s2 =	sld [smem:$0x3FAE]  }
0x29: {  	s4 =	sld [smem:$0x3FB0]  }
0x2a: {  	p0 =	seq.s32 s5, $0x0;
	s5 =	sld [smem:$0x3FB1]  }
0x2b: {  	s6 =	sld [smem:$0x3FB2]  }
0x2c: {  	s7 =	sld [smem:$0x3FB3]  }
0x2d: {  	s3 =	simm.s32 $0x108;
	s8 =	sld [smem:$0x3FB4]  }
0x2e: {  	s3 =	simm.s32 @!p0 $0x1082;
	s9 =	sld [smem:$0x3FB5]  }
0x2f: {  	lr =	sadd.s32 s0, s3;
	s0 =	sld [smem:$0x3FAC]  }
0x30: {  	s3 =	sld [smem:$0x3FAF]  }
0x31: {  	[smem:$0x3FB8] =	sst s10  }
0x32: {  	s10 =	sld [smem:$0x3FB6];
	_ =	sdelay $0x3  }
0x33: {  	p0 =	seq.s32 s10, $0x1;
	s10 =	sld [smem:$0x3FB8];
	_ =	sdelay $0x3  }
0x34: {  	[smem:$0x3FB8] =	sst s10  }
0x35: {  	s10 =	sld [smem:$0x3FB7];
	_ =	sdelay $0x3  }
0x36: {  	p1 =	seq.s32 s10, $0x1;
	s10 =	sld [smem:$0x3FB8];
	_ =	sdelay $0x3  }
0x37: {  	[smem:$0x3FB8] =	sst s10  }
0x38: {  	s10 =	sld [smem:$0x3FB9]  }
0x39: {  	_ = 	snop;
	(pc) =	sbr.ind lr, $3  }
0x3a: {  	_ = 	snop  }
0x3b: {  	_ = 	snop  }
0x3c: {  	p2 =	seq.s32 s10, $0x1;
	s10 =	sld [smem:$0x3FB8]  }
0x3d: {  	_ =	shalt  }
0x3e: {  	_ =	shalt  }
0x3f: {  	_ =	shalt  }
0x40: {  	_ =	shalt  }
0x41: {  	_ =	shalt  }
0x42: {  	_ =	shalt  }
0x43: {  	_ =	shalt  }
0x44: {  	_ =	shalt  }
0x45: {  	_ =	shalt  }
0x46: {  	_ =	shalt  }
0x47: {  	_ =	shalt  }
0x48: {  	_ =	shalt  }
0x49: {  	_ =	shalt  }
0x4a: {  	_ =	shalt  }
0x4b: {  	_ =	shalt  }
0x4c: {  	_ =	shalt  }
0x4d: {  	_ =	shalt  }
0x4e: {  	_ =	shalt  }
0x4f: {  	_ =	shalt  }
0x50: {  	_ =	shalt  }
0x51: {  	_ =	shalt  }
0x52: {  	_ =	shalt  }
0x53: {  	_ =	shalt  }
0x54: {  	_ =	shalt  }
0x55: {  	_ =	shalt  }
0x56: {  	_ =	shalt  }
0x57: {  	_ =	shalt  }
0x58: {  	_ =	shalt  }
0x59: {  	_ =	shalt  }
0x5a: {  	_ =	shalt  }
0x5b: {  	_ =	shalt  }
0x5c: {  	_ =	shalt  }
0x5d: {  	_ =	shalt  }
0x5e: {  	_ =	shalt  }
0x5f: {  	_ =	shalt  }
0x60: {  	_ =	shalt  }
0x61: {  	_ =	shalt  }
0x62: {  	_ =	shalt  }
0x63: {  	_ =	shalt  }
0x64: {  	_ =	shalt  }
0x65: {  	_ =	shalt  }
0x66: {  	_ =	shalt  }
0x67: {  	_ =	shalt  }
0x68: {  	_ =	shalt  }
0x69: {  	_ =	shalt  }
0x6a: {  	_ =	shalt  }
0x6b: {  	_ =	shalt  }
0x6c: {  	_ =	shalt  }
0x6d: {  	_ =	shalt  }
0x6e: {  	_ =	shalt  }
0x6f: {  	_ =	shalt  }
0x70: {  	_ =	shalt  }
0x71: {  	_ =	shalt  }
0x72: {  	_ =	shalt  }
0x73: {  	_ =	shalt  }
0x74: {  	_ =	shalt  }
0x75: {  	_ =	shalt  }
0x76: {  	_ =	shalt  }
0x77: {  	_ =	shalt  }
0x78: {  	_ =	shalt  }
0x79: {  	_ =	shalt  }
0x7a: {  	_ =	shalt  }
0x7b: {  	_ =	shalt  }
0x7c: {  	_ =	shalt  }
0x7d: {  	_ =	shalt  }
0x7e: {  	_ =	shalt  }
0x7f: {  	_ =	shalt  }
0x80: {  	_ =	shalt  }
0x81: {  	_ =	shalt  }
0x82: {  	_ =	shalt  }
0x83: {  	_ =	shalt  }
0x84: {  	_ =	shalt  }
0x85: {  	_ =	shalt  }
0x86: {  	_ =	shalt  }
0x87: {  	_ =	shalt  }
.Lfunc_end0:
.L_simem_size_0:
called_computation_lowered:
.L_overlay_start_0:
0x88: {  	s2 =	sld [smem:$0x3FD9]  }
0x89: {  	s3 =	sld [smem:$0x3FFE];
	_ =	sdelay $0x1  }
0x8a: {  	s1 =	srdreg.scid  }
0x8b: {  	s0 =	sand.u32 $0x1, s1  }
0x8c: {  	s14 =	sshll.u32 s0, $0xA;
	s2 =	sadd.s32 s3, s2  }
0x8d: {  	s2 =	sadd.s32 s2, s14  }
0x8e: {  	[smem:$0x3FC4] =	sst s2  }
0x8f: {  	_ = 	snop  }
0x90: {  	s2 =	sld [smem:$0x3FD0];
	_ =	sdelay $0x2  }
0x91: {  	s4 =	simm.s32 $0xA;
	s5 =	simm.s32 $0x10;
	s15 =	sld [smem:$0x3FC7]  }
0x92: {  	[smem:s5], [sflag:s4] =	dma.local [hbm:s2], $0x1  }
0x93: {  	_ =	swait.eq [sflag:s4], $0x1  }
0x94: {  	[sflag:s4] =	ssyncset.done $0x0  }
0x95: {  	[sflag:s4] =	ssyncadd.s32 $0xFFFFFFFF  }
0x96: {  	s16 =	sld [smem:$0x10];
	(tm) =	ssettm $0x1  }
0x97: {  	s17 =	sld [smem:$0x3FFB];
	_ =	sdelay $0x3  }
0x98: {  	_ =	strace s17  }
0x99: {  	s4 =	sld [smem:$0x3FFC];
	_ =	sdelay $0x3  }
0x9a: {  	_ =	strace s4  }
0x9b: {  	s4 =	sld [smem:$0x3FFD];
	_ =	sdelay $0x3  }
0x9c: {  	_ =	strace s4  }
0x9d: {  	_ =	strace $0x8FFFFFFF  }
0x9e: {  	s18 =	sld [smem:$0x3FDB];
	_ =	sdelay $0x1  }
0x9f: {  	s19 =	simm.s32 $_scs_section_size  }
0xa0: {  	s6 =	simm.s32 $_size__tile_overlayer_lowered;
	s7 =	simm.s32 $_tile_overlayer_lowered  }
0xa1: {  	s22 =	simm.s32 $0x1BFF;
	s21 =	sshll.u32 s7, $0x1;
	s4 =	sadd.s32 s19, s18  }
0xa2: {  	s8 =	simm.s32 $0x0;
	s20 =	sshll.u32 s6, $0x1;
	s6 =	sadd.s32 s21, s4  }
0xa3: {  	[timem:s8], [sflag:s22] =	dma.local [hbm:s6], s20  }
0xa4: {  	_ =	swait.ge [sflag:s22], s20  }
0xa5: {  	s5 =	ssub.s32 $0x0, s20;
	[sflag:s22] =	ssyncset.done $0x0  }
0xa6: {  	[sflag:s22] =	ssyncadd.s32 s5;
	_ =	sdelay $0x1  }
0xa7: {  	s23 =	simm.s32 $0x1B8B  }
0xa8: {  	_ =	swait.ge [sflag:s23], $0x1  }
0xa9: {  	[sflag:s23] =	ssyncset.done $0x0  }
0xaa: {  	s25 =	simm.s32 $0x1B8E;
	s24 =	sld [smem:$0x3FFE];
	[sflag:s23] =	ssyncadd.s32 $0xFFFFFFFF  }
0xab: {  	s26 =	simm.s32 $execute0_lowered;
	[smem:$0x3FD2] =	sst s25  }
0xac: {  	s6 =	sshll.u32 s26, $0x1;
	_ =	strace $0x80000046;
	[dreg:$0x1] =	wrdreg $0xFFFFFFFF  }
0xad: {  	s28 =	simm.s32 $_size_execute0_lowered;
	s4 =	sadd.s32 s4, s6;
	[dreg:$0x0] =	wrdreg $0x0  }
0xae: {  	s6 =	sshll.u32 s28, $0x1;
	[dreg:$0x2] =	wrdreg s4  }
0xaf: {  	[dreg:$0x3] =	wrdreg s6  }
0xb0: {  	[dreg:$0x4] =	wrdreg $0xC0  }
0xb1: {  	_ =	task [dreg:s8], $0x5FFFF  }
0xb2: {  	[dreg:$0x1] =	wrdreg $0xFFFFFFFF  }
0xb3: {  	[dreg:$0x0] =	wrdreg $0x60  }
0xb4: {  	[dreg:$0x2] =	wrdreg s24  }
0xb5: {  	[dreg:$0x3] =	wrdreg s15  }
0xb6: {  	[dreg:$0x4] =	wrdreg s16  }
0xb7: {  	[dreg:$0x5] =	wrdreg $0x9  }
0xb8: {  	_ =	task.clear_ibuf [dreg:s8], $0x6FFFF;
	_ =	strace $0x90000046  }
0xb9: {  	s29 =	simm.s32 $0x9;
	_ =	strace $0x80000048  }
0xba: {  	_ =	swait.ge [sflag:s29], $0x1  }
0xbb: {  	[sflag:s29] =	ssyncadd.s32 $0xFFFFFFFF  }
0xbc: {  	_ =	strace $0x90000048  }
0xbd: {  	_ =	sfence  }
0xbe: {  	s30 =	sld [smem:$0x0];
	_ =	sdelay $0x2  }
0xbf: {  	s31 =	sshll.u32 s1, $0xD;
	s1 =	sshrl.u32 s1, $0x2  }
0xc0: {  	s3 =	sand.u32 $0x4000, s31;
	s1 =	sadd.s32 s1, s30  }
0xc1: {  	s0 =	sor.u32 s3, s0;
	s1 =	sshll.u32 s1, $0x11  }
0xc2: {  	s0 =	sor.u32 s1, s0  }
0xc3: {  	s0 =	sadd.s32 $0x8F2B, s0  }
0xc4: {  	[sflag:s0] =	ssyncadd.remote.s32 $0x1  }
0xc5: {  	_ =	sfence.sel $0xFFFF  }
0xc6: {  	[dreg:$0x0] =	wrdreg $0xFFFFFFFF;
	(pc) =	sbr.abs _section_cstart, $3  }
0xc7: {  	[dreg:$0x1] =	wrdreg $0xFFFFFFFF  }
0xc8: {  	_ =	task.clear_ibuf [dreg:s8], $0x2FFFF;
	_ =	strace $0x9FFFFFFF  }
0xc9: {  	(tm) =	ssettm $0x7FFFFFFF  }
tec
execute0_lowered:
.L_overlay_start_1:
0x0: {  	(tag) =	ssettag $0x1  }
0x1: {  	s1 =	srdreg.scid;
	s6 =	rddreg [dreg:$0x0]  }
0x2: {  	s0 =	stileid.u32;
	s2 =	rddreg [dreg:$0x1]  }
0x3: {  	s21 =	rddreg [dreg:$0x2];
	s4 =	simm.s32 $0x1;
	s3 =	simm.s32 $0x0  }
0x4: {  	s24 =	simm.s32 $0x10;
	s28 =	simm.s32 $0x0;
	s5 =	sand.u32 $0x1, s1  }
0x5: {  	[smem:$0x7FF] =	sst s3;
	s1 =	sor.u32 s5, s0;
	p1 =	seq.s32 s5, $0x1  }
0x6: {  	s8 =	ssub.s32 $0x2, s5;
	s11 =	sshll.u32 s5, $0x12;
	p0 =	seq.s32 s1, $0x0  }
0x7: {  	s20 =	sshll.u32 s5, $0xB;
	s1 =	rddreg [dreg:$0x3];
	p0 =	por !p0, !p1  }
0x8: {  	_ =	strace $0x80000047;
	s9 =	sshrl.u32 s8, $0x1;
	p0 =	por !p0, !p0  }
0x9: {  	s14 =	sor.u32 $0x500, s20;
	s16 =	sor.u32 $0x600, s20;
	s4 =	simm.s32 @!p0 $0x0  }
0xa: {  	s22 =	ssub.s32 s8, s9;
	s8 =	sor.u32 $0x200, s20;
	s25 =	ssub.s32 s0, s4  }
0xb: {  	s22 =	smax.u32 s22, $0x1;
	s4 =	simm.s32 $0x1;
	s7 =	sshll.u32 s25, $0x3  }
0xc: {  	s10 =	sshll.u32 s25, $0x13;
	p0 =	seq.s32 s25, $0xF;
	p2 =	seq.s32 s25, $0x6  }
0xd: {  	p3 =	seq.s32 s25, $0x5;
	p4 =	seq.s32 s25, $0x4;
	p5 =	seq.s32 s25, $0x3  }
0xe: {  	p6 =	seq.s32 s25, $0x2;
	s7 =	sand.u32 $0x1FFFFFF8, s7;
	s18 =	sor.u32 s11, s10  }
0xf: {  	s26 =	simm.s32 @!p0 $0x0;
	s6 =	sadd.s32 s7, s6;
	s29 =	sshrl.u32 s18, $0x3  }
0x10: {  	s30 =	sor.u32 $0x8000, s18;
	s10 =	sor.u32 $0x10000, s18;
	s12 =	sor.u32 $0x18000, s18  }
0x11: {  	s15 =	sor.u32 $0x20000, s18;
	s17 =	sor.u32 $0x28000, s18;
	s19 =	sor.u32 $0x30000, s18  }
0x12: {  	s23 =	sor.u32 $0x38000, s18;
	s18 =	sor.u32 $0x700, s20;
	s26 =	simm.s32 @p0 $0x1  }
0x13: {  	p0 =	seq.s32 s25, $0xE;
	s5 =	sadd.s32 $0x600, s6;
	s6 =	sor.u32 $0x100, s20  }
0x14: {  	s7 =	sadd.s32 s21, s29;
	s9 =	sshrl.u32 s30, $0x3;
	s31 =	sshrl.u32 s10, $0x3  }
0x15: {  	s10 =	sor.u32 $0x300, s20;
	[smem:$0x7F5] =	sst s26;
	s26 =	simm.s32 @!p0 $0x0  }
0x16: {  	s13 =	sshrl.u32 s12, $0x3;
	s26 =	simm.s32 @p0 $0x1;
	p0 =	seq.s32 s25, $0xD  }
0x17: {  	s12 =	sor.u32 $0x400, s20;
	[smem:$0x7F6] =	sst s26;
	s26 =	simm.s32 @!p0 $0x0  }
0x18: {  	s15 =	sshrl.u32 s15, $0x3;
	s26 =	simm.s32 @p0 $0x1;
	p0 =	seq.s32 s25, $0xC  }
0x19: {  	s17 =	sshrl.u32 s17, $0x3;
	[smem:$0x7F7] =	sst s26;
	s26 =	simm.s32 @!p0 $0x0  }
0x1a: {  	s19 =	sshrl.u32 s19, $0x3;
	s26 =	simm.s32 @p0 $0x1;
	p0 =	seq.s32 s25, $0xB  }
0x1b: {  	s23 =	sshrl.u32 s23, $0x3;
	[smem:$0x7F8] =	sst s26;
	s26 =	simm.s32 @!p0 $0x0  }
0x1c: {  	s20 =	sadd.s32 $0x800, s20;
	s26 =	simm.s32 @p0 $0x1;
	p0 =	seq.s32 s25, $0xA  }
0x1d: {  	s9 =	sadd.s32 s21, s9;
	[smem:$0x7F9] =	sst s26;
	s26 =	simm.s32 @!p0 $0x0  }
0x1e: {  	s11 =	sadd.s32 s21, s31;
	s26 =	simm.s32 @p0 $0x1;
	p0 =	seq.s32 s25, $0x9  }
0x1f: {  	s13 =	sadd.s32 s21, s13;
	[smem:$0x7FA] =	sst s26;
	s26 =	simm.s32 @!p0 $0x0  }
0x20: {  	s15 =	sadd.s32 s21, s15;
	s26 =	simm.s32 @p0 $0x1;
	p0 =	seq.s32 s25, $0x8  }
0x21: {  	s17 =	sadd.s32 s21, s17;
	[smem:$0x7FB] =	sst s26;
	s26 =	simm.s32 @!p0 $0x0  }
0x22: {  	s19 =	sadd.s32 s21, s19;
	s26 =	simm.s32 @p0 $0x1;
	p0 =	seq.s32 s25, $0x7  }
0x23: {  	s21 =	sadd.s32 s21, s23;
	[smem:$0x7FC] =	sst s26;
	s26 =	simm.s32 @!p0 $0x0  }
0x24: {  	s23 =	simm.s32 $0x2;
	s26 =	simm.s32 @p0 $0x1;
	p0 =	seq.s32 s25, $0x1  }
0x25: {  	v0 =	vimm.f32 $0.0e+00;
	s25 =	simm.s32 $0x40;
	[smem:$0x7FD] =	sst s26;
	s26 =	simm.s32 $0x80  }
.LBB2_1:
0x26: {  	[tilespmem:s3], [sflag:$0x2] =	stream.linear.gather [hbm4b:s2+s3], $0x10, $0x38;
	[tilespmem:$0x8050] =	vst v63  }
0x27: {  	_ =	swait.ge [sflag:s23], $0x10  }
0x28: {  	[sflag:s23] =	ssyncset.done $0x0  }
0x29: {  	[sflag:s23] =	ssyncadd.s32 $0xFFFFFFF0  }
0x2a: {  	[tilespmem:s24], [sflag:$0x2] =	stream.linear.gather [hbm4b:s5+s3], $0x40, $0x38;
	[tilespmem:$0x8050] =	vst v63  }
0x2b: {  	_ =	swait.ge [sflag:s23], $0x40  }
0x2c: {  	[sflag:s23] =	ssyncset.done $0x0  }
0x2d: {  	[sflag:s23] =	ssyncadd.s32 $0xFFFFFFC0  }
0x2e: {  	v5 =	vld [tilespmem:$0x0]  }
0x2f: {  	v4 =	vld [tilespmem:$0x10]  }
0x30: {  	v3 =	vld [tilespmem:$0x20]  }
0x31: {  	v2 =	vld [tilespmem:$0x30]  }
0x32: {  	s30 =	simm.s32 $0x0;
	s29 =	simm.s32 $0x100;
	v1 =	vld [tilespmem:$0x40]  }
.LBB2_2:
0x33: {  	p1 =	sne.s32 s29, $0xFF00;
	[tilespmem:s30+$0x4080] =	vst v0  }
0x34: {  	[tilespmem:s30+$0x50] =	vst v4  }
0x35: {  	[tilespmem:s30+$0x4050] =	vst v0  }
.Ltmp0:
0x36: {  	[tilespmem:s30+$0x60] =	vst v3;
	(pc) =	sbr.rel @p1 .LBB2_2-.Ltmp0, $4  }
0x37: {  	[tilespmem:s30+$0x4060] =	vst v0  }
0x38: {  	[tilespmem:s30+$0x70] =	vst v2  }
0x39: {  	[tilespmem:s30+$0x4070] =	vst v0  }
0x3a: {  	[tilespmem:s30+$0x80] =	vst v1;
	s30 =	sshra.s32 s29, $0x2;
	s29 =	sadd.s32 $0x100, s29  }
0x3b: {  	(v2sf) =	vpush v5, $0x0  }
0x3c: {  	(v2sf) =	vpush v5, $0x1  }
0x3d: {  	(v2sf) =	vpush v5, $0x2  }
0x3e: {  	(v2sf) =	vpush v5, $0x3  }
0x3f: {  	(v2sf) =	vpush v5, $0x4  }
0x40: {  	(v2sf) =	vpush v5, $0x5  }
0x41: {  	(v2sf) =	vpush v5, $0x6  }
0x42: {  	(v2sf) =	vpush v5, $0x7;
	_ =	sdelay $0x6  }
0x43: {  	(v2sf) =	vpush v5, $0x8  }
0x44: {  	s29 =	spop (v2sf)  }
0x45: {  	(v2sf) =	vpush v5, $0x9;
	s31 =	spop (v2sf)  }
0x46: {  	(v2sf) =	vpush v5, $0xA;
	s29 =	smov.u32 @p0 s31;
	s31 =	spop (v2sf)  }
0x47: {  	(v2sf) =	vpush v5, $0xB;
	s29 =	smov.u32 @p6 s31;
	s31 =	spop (v2sf)  }
0x48: {  	(v2sf) =	vpush v5, $0xC;
	s29 =	smov.u32 @p5 s31;
	s31 =	spop (v2sf)  }
0x49: {  	(v2sf) =	vpush v5, $0xD;
	s29 =	smov.u32 @p4 s31;
	s31 =	spop (v2sf)  }
0x4a: {  	(v2sf) =	vpush v5, $0xE;
	s29 =	smov.u32 @p3 s31;
	s31 =	spop (v2sf)  }
0x4b: {  	(v2sf) =	vpush v5, $0xF;
	s29 =	smov.u32 @p2 s31;
	s31 =	spop (v2sf);
	[smem:$0x7F4] =	sst s0  }
0x4c: {  	s0 =	sld [smem:$0x7FD];
	_ =	sdelay $0x2  }
0x4d: {  	p1 =	seq.s32 s0, $0x1;
	s0 =	sld [smem:$0x7F4];
	_ =	sdelay $0x2  }
0x4e: {  	s29 =	smov.u32 @p1 s31;
	s31 =	spop (v2sf);
	[smem:$0x7F4] =	sst s0  }
0x4f: {  	s0 =	sld [smem:$0x7FC];
	_ =	sdelay $0x2  }
0x50: {  	p1 =	seq.s32 s0, $0x1;
	s0 =	sld [smem:$0x7F4];
	_ =	sdelay $0x2  }
0x51: {  	s29 =	smov.u32 @p1 s31;
	s31 =	spop (v2sf);
	[smem:$0x7F4] =	sst s0  }
0x52: {  	s0 =	sld [smem:$0x7FB];
	_ =	sdelay $0x2  }
0x53: {  	p1 =	seq.s32 s0, $0x1;
	s0 =	sld [smem:$0x7F4];
	_ =	sdelay $0x2  }
0x54: {  	s29 =	smov.u32 @p1 s31;
	s31 =	spop (v2sf);
	[smem:$0x7F4] =	sst s0  }
0x55: {  	s0 =	sld [smem:$0x7FA];
	_ =	sdelay $0x2  }
0x56: {  	p1 =	seq.s32 s0, $0x1;
	s0 =	sld [smem:$0x7F4];
	_ =	sdelay $0x2  }
0x57: {  	s29 =	smov.u32 @p1 s31;
	s31 =	spop (v2sf);
	[smem:$0x7F4] =	sst s0  }
0x58: {  	s0 =	sld [smem:$0x7F9];
	_ =	sdelay $0x2  }
0x59: {  	p1 =	seq.s32 s0, $0x1;
	s0 =	sld [smem:$0x7F4];
	_ =	sdelay $0x2  }
0x5a: {  	s29 =	smov.u32 @p1 s31;
	s31 =	spop (v2sf);
	[smem:$0x7F4] =	sst s0  }
0x5b: {  	s0 =	sld [smem:$0x7F8];
	_ =	sdelay $0x2  }
0x5c: {  	p1 =	seq.s32 s0, $0x1;
	s0 =	sld [smem:$0x7F4];
	_ =	sdelay $0x2  }
0x5d: {  	s29 =	smov.u32 @p1 s31;
	s31 =	spop (v2sf);
	[smem:$0x7F4] =	sst s0  }
0x5e: {  	s0 =	sld [smem:$0x7F7];
	_ =	sdelay $0x2  }
0x5f: {  	p1 =	seq.s32 s0, $0x1;
	s0 =	sld [smem:$0x7F4];
	_ =	sdelay $0x2  }
0x60: {  	[tilespmem:s30+$0x4080] =	vst v0;
	s29 =	smov.u32 @p1 s31;
	s31 =	spop (v2sf);
	[smem:$0x7F4] =	sst s0  }
0x61: {  	s0 =	sld [smem:$0x7F6];
	_ =	sdelay $0x2  }
0x62: {  	p1 =	seq.s32 s0, $0x1;
	s0 =	sld [smem:$0x7F4];
	_ =	sdelay $0x2  }
0x63: {  	[tilespmem:s30+$0x50] =	vst v4;
	s29 =	smov.u32 @p1 s31;
	s31 =	spop (v2sf);
	[smem:$0x7F4] =	sst s0  }
0x64: {  	s0 =	sld [smem:$0x7F5];
	_ =	sdelay $0x2  }
0x65: {  	p1 =	seq.s32 s0, $0x1;
	s0 =	sld [smem:$0x7F4];
	[tilespmem:s30+$0x4050] =	vst v0  }
0x66: {  	[tilespmem:s30+$0x60] =	vst v3  }
0x67: {  	[tilespmem:s30+$0x4060] =	vst v0  }
0x68: {  	[tilespmem:s30+$0x70] =	vst v2;
	s29 =	smov.u32 @p1 s31  }
0x69: {  	[tilespmem:s30+$0x4070] =	vst v0;
	s31 =	ssub.s32 s6, s29  }
0x6a: {  	[tilespmem:s30+$0x80] =	vst v1;
	s30 =	ssub.s32 s8, s29;
	p1 =	sgt.s32 s31, $0x0  }
0x6b: {  	s31 =	simm.s32 @!p1 $0x0;
	p1 =	sgt.s32 s30, $0x0  }
0x6c: {  	s31 =	smin.u32 s31, $0x100;
	s30 =	simm.s32 @!p1 $0x0  }
0x6d: {  	s31 =	sshll.u32 s31, $0x6;
	s30 =	smin.u32 s30, $0x100  }
0x6e: {  	s31 =	sadd.s32 $0x50, s31;
	s30 =	sshll.u32 s30, $0x6  }
0x6f: {  	[hbm4b:s7+s25] =	stream.strided.scatter [tilespmem:s31], [sflag:$0x1], $0x4000, s26, s25, $0x38;
	[tilespmem:$0x8050] =	vst v63  }
0x70: {  	s30 =	sadd.s32 $0x50, s30  }
0x71: {  	[hbm4b:s9+s25] =	stream.strided.scatter [tilespmem:s30], [sflag:$0x1], $0x4000, s26, s25, $0x38;
	[tilespmem:$0x8050] =	vst v63  }
0x72: {  	s30 =	ssub.s32 s10, s29  }
0x73: {  	p1 =	sgt.s32 s30, $0x0  }
0x74: {  	s30 =	simm.s32 @!p1 $0x0  }
0x75: {  	s30 =	smin.u32 s30, $0x100  }
0x76: {  	s30 =	sshll.u32 s30, $0x6  }
0x77: {  	s30 =	sadd.s32 $0x50, s30  }
0x78: {  	[hbm4b:s11+s25] =	stream.strided.scatter [tilespmem:s30], [sflag:$0x1], $0x4000, s26, s25, $0x38;
	[tilespmem:$0x8050] =	vst v63  }
0x79: {  	s30 =	ssub.s32 s12, s29  }
0x7a: {  	p1 =	sgt.s32 s30, $0x0  }
0x7b: {  	s30 =	simm.s32 @!p1 $0x0  }
0x7c: {  	s30 =	smin.u32 s30, $0x100  }
0x7d: {  	s30 =	sshll.u32 s30, $0x6  }
0x7e: {  	s30 =	sadd.s32 $0x50, s30  }
0x7f: {  	[hbm4b:s13+s25] =	stream.strided.scatter [tilespmem:s30], [sflag:$0x1], $0x4000, s26, s25, $0x38;
	[tilespmem:$0x8050] =	vst v63  }
0x80: {  	s30 =	ssub.s32 s14, s29  }
0x81: {  	p1 =	sgt.s32 s30, $0x0  }
0x82: {  	s30 =	simm.s32 @!p1 $0x0  }
0x83: {  	s30 =	smin.u32 s30, $0x100  }
0x84: {  	s30 =	sshll.u32 s30, $0x6  }
0x85: {  	s30 =	sadd.s32 $0x50, s30  }
0x86: {  	[hbm4b:s15+s25] =	stream.strided.scatter [tilespmem:s30], [sflag:$0x1], $0x4000, s26, s25, $0x38;
	[tilespmem:$0x8050] =	vst v63  }
0x87: {  	s30 =	ssub.s32 s16, s29  }
0x88: {  	p1 =	sgt.s32 s30, $0x0  }
0x89: {  	s30 =	simm.s32 @!p1 $0x0  }
0x8a: {  	s30 =	smin.u32 s30, $0x100  }
0x8b: {  	s30 =	sshll.u32 s30, $0x6  }
0x8c: {  	s30 =	sadd.s32 $0x50, s30  }
0x8d: {  	[hbm4b:s17+s25] =	stream.strided.scatter [tilespmem:s30], [sflag:$0x1], $0x4000, s26, s25, $0x38;
	[tilespmem:$0x8050] =	vst v63  }
0x8e: {  	s30 =	ssub.s32 s18, s29  }
0x8f: {  	s29 =	ssub.s32 s20, s29;
	p1 =	sgt.s32 s30, $0x0  }
0x90: {  	s30 =	simm.s32 @!p1 $0x0;
	p1 =	sgt.s32 s29, $0x0  }
0x91: {  	s30 =	smin.u32 s30, $0x100;
	s29 =	simm.s32 @!p1 $0x0  }
0x92: {  	s30 =	sshll.u32 s30, $0x6;
	s29 =	smin.u32 s29, $0x100  }
0x93: {  	s30 =	sadd.s32 $0x50, s30;
	s29 =	sshll.u32 s29, $0x6  }
0x94: {  	[hbm4b:s19+s25] =	stream.strided.scatter [tilespmem:s30], [sflag:$0x1], $0x4000, s26, s25, $0x38;
	[tilespmem:$0x8050] =	vst v63  }
0x95: {  	s29 =	sadd.s32 $0x50, s29  }
0x96: {  	[hbm4b:s21+s25] =	stream.strided.scatter [tilespmem:s29], [sflag:$0x1], $0x4000, s26, s25, $0x38;
	[tilespmem:$0x8050] =	vst v63  }
0x97: {  	_ =	swait.ge [sflag:s4], $0x4000  }
0x98: {  	[sflag:s4] =	ssyncset.done $0x0  }
0x99: {  	[sflag:s4] =	ssyncadd.s32 $0xFFFFC000  }
0x9a: {  	_ =	swait.ge [sflag:s4], $0x4000  }
0x9b: {  	[sflag:s4] =	ssyncset.done $0x0  }
0x9c: {  	[sflag:s4] =	ssyncadd.s32 $0xFFFFC000  }
0x9d: {  	_ =	swait.ge [sflag:s4], $0x4000  }
0x9e: {  	[sflag:s4] =	ssyncset.done $0x0  }
0x9f: {  	[sflag:s4] =	ssyncadd.s32 $0xFFFFC000  }
0xa0: {  	_ =	swait.ge [sflag:s4], $0x4000  }
0xa1: {  	[sflag:s4] =	ssyncset.done $0x0  }
0xa2: {  	[sflag:s4] =	ssyncadd.s32 $0xFFFFC000  }
0xa3: {  	_ =	swait.ge [sflag:s4], $0x4000  }
0xa4: {  	[sflag:s4] =	ssyncset.done $0x0  }
0xa5: {  	[sflag:s4] =	ssyncadd.s32 $0xFFFFC000  }
0xa6: {  	_ =	swait.ge [sflag:s4], $0x4000  }
0xa7: {  	[sflag:s4] =	ssyncset.done $0x0  }
0xa8: {  	s28 =	sadd.s32 $0x1, s28;
	[sflag:s4] =	ssyncadd.s32 $0xFFFFC000  }
0xa9: {  	p1 =	sne.s32 s28, s22;
	_ =	swait.ge [sflag:s4], $0x4000  }
.Ltmp1:
0xaa: {  	[sflag:s4] =	ssyncset.done $0x0;
	(pc) =	sbr.rel @p1 .LBB2_1-.Ltmp1, $4  }
0xab: {  	[sflag:s4] =	ssyncadd.s32 $0xFFFFC000  }
0xac: {  	_ =	swait.ge [sflag:s4], $0x4000  }
0xad: {  	[sflag:s4] =	ssyncset.done $0x0  }
0xae: {  	[sflag:s4] =	ssyncadd.s32 $0xFFFFC000  }
0xaf: {  	_ =	sfence.sel $0x180000  }
0xb0: {  	[bflag:$0x0] =	sbarrier.arrive $0xFFFF  }
0xb1: {  	p0 =	sne.s32 s0, $0x0;
	_ =	strace $0x90000047  }
0xb2: {  	s0 =	sadd.s32 @!p0 $0x100000, s1;
	[bflag:$0x2] =	sbarrier.arrive $0xFFFF  }
0xb3: {  	[sflag:s0] =	ssyncadd.tile.s32 @!p0 $0x1;
	_ =	shalt  }
.Lfunc_end2:
_tile_overlayer_lowered:
.L_overlay_start_2:
0xb4: {  	(tag) =	ssettag $0x2  }
0xb5: {  	s0 =	rddreg [dreg:$0x0];
	s2 =	stileid.u32  }
0xb6: {  	s1 =	rddreg [dreg:$0x1];
	p0 =	sne.s32 s2, $0x0  }
0xb7: {  	s3 =	rddreg [dreg:$0x2];
	[bflag:$0x3] =	sbarrier.arrive $0xFFFF;
	s2 =	simm.s32 @!p0 $0x1C02  }
0xb8: {  	[timem:s3], [sflag:s2] =	dma.local @!p0 [hbm:s0], s1  }
0xb9: {  	s0 =	simm.s32 @!p0 $0x2  }
0xba: {  	_ =	swait.ge @!p0 [sflag:s0], s1  }
0xbb: {  	s1 =	ssub.s32 @!p0 $0x0, s1;
	[sflag:s0] =	ssyncset.done @!p0 $0x0  }
0xbc: {  	[sflag:s0] =	ssyncadd.s32 @!p0 s1  }
0xbd: {  	[bflag:$0x3] =	sbarrier.arrive $0xFFFF  }
0xbe: {  	_ =	shalt  }

</sc_bundles>
